<compile_context>
chip_gen: v7x
topology: tpu7x:2x2x1
jax: 0.10.2.dev20260603
libtpu: 0.0.44.dev20260713+nightly
codegen_flags: <defaults>
</compile_context>

<pallas_src>
import functools

import jax
import jax.numpy as jnp
from jax import lax
from jax.experimental import pallas as pl
from jax.experimental.pallas import tpu as pltpu
from jax.experimental.pallas import tpu_sc as plsc

INPUT_DIM = 1000000
OUTPUT_DIM = 64
B = 4096
N = 50

NC = 2
NS = 16
NW = NC * NS

TOTAL = B * N
PER_W = TOTAL // NW
CHUNK = 128
NCHUNK = PER_W // CHUNK
GPG = 5
GROUP = GPG * CHUNK
NGROUP = PER_W // GROUP


@functools.partial(
    pl.kernel,
    mesh=plsc.VectorSubcoreMesh(core_axis_name="c", subcore_axis_name="s"),
    out_type=jax.ShapeDtypeStruct((TOTAL, OUTPUT_DIM), jnp.float32),
    scratch_types=[
        pltpu.VMEM((NCHUNK, CHUNK), jnp.int32),
        pltpu.VMEM((2, GROUP, OUTPUT_DIM), jnp.float32),
        pltpu.SemaphoreType.DMA,
        pltpu.SemaphoreType.DMA,
    ],
    compiler_params=pltpu.CompilerParams(use_tc_tiling_on_sc=False),
)
def _gather_kernel(idx_hbm, w_hbm, out_hbm, idx_v, rows_v, gsem, wsem):
    wid = lax.axis_index("s") * NC + lax.axis_index("c")
    base = wid * PER_W
    pltpu.sync_copy(idx_hbm.at[wid], idx_v)

    def gather_copies(g, buf):
        return [
            pltpu.make_async_copy(
                w_hbm.at[idx_v.at[g * GPG + i]],
                rows_v.at[buf, pl.ds(i * CHUNK, CHUNK)],
                gsem,
            )
            for i in range(GPG)
        ]

    def write_copy(g, buf):
        return pltpu.make_async_copy(
            rows_v.at[buf], out_hbm.at[pl.ds(base + g * GROUP, GROUP)], wsem
        )

    for cp in gather_copies(0, 0):
        cp.start()

    def body(g, carry):
        buf = lax.rem(g, 2)
        nxt = lax.rem(g + 1, 2)

        @pl.when(g + 1 < NGROUP)
        def _():
            for cp in gather_copies(g + 1, nxt):
                cp.start()

        for cp in gather_copies(g, buf):
            cp.wait()

        @pl.when(g >= 2)
        def _():
            write_copy(g - 2, buf).wait()

        write_copy(g, buf).start()
        return carry

    lax.fori_loop(0, NGROUP, body, 0)
    write_copy(NGROUP - 2, lax.rem(jnp.int32(NGROUP - 2), 2)).wait()
    write_copy(NGROUP - 1, lax.rem(jnp.int32(NGROUP - 1), 2)).wait()


def kernel(x, w):
    idx = x.reshape(NW, NCHUNK, CHUNK)
    flat = _gather_kernel(idx, w)
    return flat.reshape(B, N, OUTPUT_DIM)

# --- scband reference (transcript-rebuilt; emitter-appended) ---
"""Pipeline reference for scband-embedding-59304908423181 (READ-ONLY COPY).

The authoritative reference and input builder live on the scoring server;
editing this copy changes nothing except your own understanding.
"""

import jax, jax.numpy as jnp
import numpy as np

INPUT_DIM = 1000000
OUTPUT_DIM = 64
B = 4096
N = 50

def setup_inputs(seed: int = 0) -> dict:
    key = jax.random.key(seed)
    k1, k2 = jax.random.split(key)
    x = jax.random.randint(k1, (B, N), 0, INPUT_DIM, dtype=jnp.int64 if jax.config.jax_enable_x64 else jnp.int32).astype(jnp.int32)
    w = jax.random.normal(k2, (INPUT_DIM, OUTPUT_DIM), dtype=jnp.float32) * 0.02
    return {"x": x, "w": w}

def reference(x, w):
    # inference path (training=False): w_eff = w + 0
    indices = jnp.where(x < 0, jnp.zeros_like(x), x)
    y = jnp.take(w, indices, axis=0)  # gather_nd over expanded last dim == row gather
    mask = jnp.where(x < 0, jnp.zeros_like(x), jnp.ones_like(x))
    mask = mask.astype(jnp.float32)[..., None]
    return y * mask

if __name__ == "__main__":
    import jax
    _d = setup_inputs()
    print(jax.jit(kernel)(*tuple(_d.values())))

</pallas_src>

<mosaic_0001>
#map = affine_map<(d0, d1) -> (0, 0, 0)>
#map1 = affine_map<(d0, d1) -> (0, 0)>
module attributes {stable_mosaic.version = 14 : i64} {
  func.func @_gather_kernel(%arg0: i32, %arg1: i32, %arg2: memref<32x50x128xi32, #tpu.memory_space<hbm>>, %arg3: memref<1000000x64xf32, #tpu.memory_space<hbm>>, %arg4: memref<204800x64xf32, #tpu.memory_space<hbm>>, %arg5: memref<50x128xi32, #tpu.memory_space<vmem>>, %arg6: memref<2x640x64xf32, #tpu.memory_space<vmem>>, %arg7: memref<!tpu.dma_semaphore, #tpu.memory_space<semaphore_mem>>, %arg8: memref<!tpu.dma_semaphore, #tpu.memory_space<semaphore_mem>>) attributes {dimension_semantics = [#tpu.dimension_semantics<core_parallel>, #tpu.dimension_semantics<subcore_parallel>], iteration_bounds = array<i64: 2, 16>, scalar_prefetch = 0 : i64, scratch_operands = 4 : i64, tpu.core_type = #tpu.core_type<sc_vector_subcore>, window_params = [{transform_indices = #map}, {transform_indices = #map1}, {transform_indices = #map1}]} {
    %mul3A = arith.constant 2 : i32
    %mul3A_0 = arith.muli %arg1, %mul3A : i32
    %add3A = arith.addi %mul3A_0, %arg0 : i32
    %mul3A_1 = arith.constant 6400 : i32
    %mul3A_2 = arith.muli %add3A, %mul3A_1 : i32
    "tpu.region"() ({
      %run_scoped3A = tpu.sem_alloc : memref<!tpu.dma_semaphore, #tpu.memory_space<semaphore_mem>>
      %dma_start3A_99 = arith.constant 0 : i32
      %dma_start3A_100 = arith.constant 0 : i32
      %dma_start3A_101 = tpu.memref_slice %arg2[%add3A, %dma_start3A_99, %dma_start3A_100] : memref<32x50x128xi32, #tpu.memory_space<hbm>> -> memref<1x50x128xi32, #tpu.memory_space<hbm>>
      %dma_start3A_102 = tpu.memref_squeeze %dma_start3A_101 : memref<1x50x128xi32, #tpu.memory_space<hbm>> -> memref<50x128xi32, #tpu.memory_space<hbm>>
      %dma_start3A_103 = arith.constant 0 : i32
      %dma_start3A_104 = arith.constant 0 : i32
      %dma_start3A_105 = tpu.memref_slice %arg2[%add3A, %dma_start3A_103, %dma_start3A_104] : memref<32x50x128xi32, #tpu.memory_space<hbm>> -> memref<1x50x128xi32, #tpu.memory_space<hbm>>
      %dma_start3A_106 = tpu.memref_squeeze %dma_start3A_105 : memref<1x50x128xi32, #tpu.memory_space<hbm>> -> memref<50x128xi32, #tpu.memory_space<hbm>>
      tpu.enqueue_dma source(%dma_start3A_106 : memref<50x128xi32, #tpu.memory_space<hbm>>) target(%arg5 : memref<50x128xi32, #tpu.memory_space<vmem>>) target_semaphore(%run_scoped3A : memref<!tpu.dma_semaphore, #tpu.memory_space<semaphore_mem>>)
      %dma_wait3A_107 = arith.constant 0 : i32
      %dma_wait3A_108 = arith.constant 0 : i32
      %dma_wait3A_109 = tpu.memref_slice %arg2[%add3A, %dma_wait3A_107, %dma_wait3A_108] : memref<32x50x128xi32, #tpu.memory_space<hbm>> -> memref<1x50x128xi32, #tpu.memory_space<hbm>>
      %dma_wait3A_110 = tpu.memref_squeeze %dma_wait3A_109 : memref<1x50x128xi32, #tpu.memory_space<hbm>> -> memref<50x128xi32, #tpu.memory_space<hbm>>
      %dma_wait3A_111 = arith.constant 0 : i32
      %dma_wait3A_112 = arith.constant 0 : i32
      %dma_wait3A_113 = tpu.memref_slice %arg2[%add3A, %dma_wait3A_111, %dma_wait3A_112] : memref<32x50x128xi32, #tpu.memory_space<hbm>> -> memref<1x50x128xi32, #tpu.memory_space<hbm>>
      %dma_wait3A_114 = tpu.memref_squeeze %dma_wait3A_113 : memref<1x50x128xi32, #tpu.memory_space<hbm>> -> memref<50x128xi32, #tpu.memory_space<hbm>>
      tpu.wait_dma2 semaphore(%run_scoped3A : memref<!tpu.dma_semaphore, #tpu.memory_space<semaphore_mem>>) src(%dma_wait3A_114 : memref<50x128xi32, #tpu.memory_space<hbm>>) dst(%arg5 : memref<50x128xi32, #tpu.memory_space<vmem>>)
      tpu.yield
    }) : () -> ()
    %dma_start3A = arith.constant 0 : i32
    %dma_start3A_3 = arith.constant 0 : i32
    %dma_start3A_4 = arith.constant 0 : i32
    %dma_start3A_5 = arith.constant 0 : i32
    %dma_start3A_6 = tpu.memref_slice %arg6[%dma_start3A_3, %dma_start3A_4, %dma_start3A_5] : memref<2x640x64xf32, #tpu.memory_space<vmem>> -> memref<1x128x64xf32, #tpu.memory_space<vmem>>
    %dma_start3A_7 = tpu.memref_squeeze %dma_start3A_6 : memref<1x128x64xf32, #tpu.memory_space<vmem>> -> memref<128x64xf32, #tpu.memory_space<vmem>>
    %dma_start3A_8 = arith.constant 0 : i32
    %dma_start3A_9 = tpu.memref_slice %arg5[%dma_start3A, %dma_start3A_8] : memref<50x128xi32, #tpu.memory_space<vmem>> -> memref<1x128xi32, #tpu.memory_space<vmem>>
    %dma_start3A_10 = tpu.memref_squeeze %dma_start3A_9 : memref<1x128xi32, #tpu.memory_space<vmem>> -> memref<128xi32, #tpu.memory_space<vmem>>
    %dma_start3A_11 = arith.constant 0 : i32
    %dma_start3A_12 = arith.constant 0 : i32
    %dma_start3A_13 = tpu.memref_slice %arg3[%dma_start3A_11, %dma_start3A_12] : memref<1000000x64xf32, #tpu.memory_space<hbm>> -> memref<1000000x64xf32, #tpu.memory_space<hbm>>
    tpu.enqueue_indirect_dma source(%dma_start3A_13 : memref<1000000x64xf32, #tpu.memory_space<hbm>>) target(%dma_start3A_7 : memref<128x64xf32, #tpu.memory_space<vmem>>) offsets(%dma_start3A_10 : memref<128xi32, #tpu.memory_space<vmem>>) semaphore(%arg7 : memref<!tpu.dma_semaphore, #tpu.memory_space<semaphore_mem>>)
    %dma_start3A_14 = arith.constant 1 : i32
    %dma_start3A_15 = arith.constant 0 : i32
    %dma_start3A_16 = arith.constant 128 : i32
    %dma_start3A_17 = arith.constant 0 : i32
    %dma_start3A_18 = tpu.memref_slice %arg6[%dma_start3A_15, %dma_start3A_16, %dma_start3A_17] : memref<2x640x64xf32, #tpu.memory_space<vmem>> -> memref<1x128x64xf32, #tpu.memory_space<vmem>>
    %dma_start3A_19 = tpu.memref_squeeze %dma_start3A_18 : memref<1x128x64xf32, #tpu.memory_space<vmem>> -> memref<128x64xf32, #tpu.memory_space<vmem>>
    %dma_start3A_20 = arith.constant 0 : i32
    %dma_start3A_21 = tpu.memref_slice %arg5[%dma_start3A_14, %dma_start3A_20] : memref<50x128xi32, #tpu.memory_space<vmem>> -> memref<1x128xi32, #tpu.memory_space<vmem>>
    %dma_start3A_22 = tpu.memref_squeeze %dma_start3A_21 : memref<1x128xi32, #tpu.memory_space<vmem>> -> memref<128xi32, #tpu.memory_space<vmem>>
    %dma_start3A_23 = arith.constant 0 : i32
    %dma_start3A_24 = arith.constant 0 : i32
    %dma_start3A_25 = tpu.memref_slice %arg3[%dma_start3A_23, %dma_start3A_24] : memref<1000000x64xf32, #tpu.memory_space<hbm>> -> memref<1000000x64xf32, #tpu.memory_space<hbm>>
    tpu.enqueue_indirect_dma source(%dma_start3A_25 : memref<1000000x64xf32, #tpu.memory_space<hbm>>) target(%dma_start3A_19 : memref<128x64xf32, #tpu.memory_space<vmem>>) offsets(%dma_start3A_22 : memref<128xi32, #tpu.memory_space<vmem>>) semaphore(%arg7 : memref<!tpu.dma_semaphore, #tpu.memory_space<semaphore_mem>>)
    %dma_start3A_26 = arith.constant 2 : i32
    %dma_start3A_27 = arith.constant 0 : i32
    %dma_start3A_28 = arith.constant 256 : i32
    %dma_start3A_29 = arith.constant 0 : i32
    %dma_start3A_30 = tpu.memref_slice %arg6[%dma_start3A_27, %dma_start3A_28, %dma_start3A_29] : memref<2x640x64xf32, #tpu.memory_space<vmem>> -> memref<1x128x64xf32, #tpu.memory_space<vmem>>
    %dma_start3A_31 = tpu.memref_squeeze %dma_start3A_30 : memref<1x128x64xf32, #tpu.memory_space<vmem>> -> memref<128x64xf32, #tpu.memory_space<vmem>>
    %dma_start3A_32 = arith.constant 0 : i32
    %dma_start3A_33 = tpu.memref_slice %arg5[%dma_start3A_26, %dma_start3A_32] : memref<50x128xi32, #tpu.memory_space<vmem>> -> memref<1x128xi32, #tpu.memory_space<vmem>>
    %dma_start3A_34 = tpu.memref_squeeze %dma_start3A_33 : memref<1x128xi32, #tpu.memory_space<vmem>> -> memref<128xi32, #tpu.memory_space<vmem>>
    %dma_start3A_35 = arith.constant 0 : i32
    %dma_start3A_36 = arith.constant 0 : i32
    %dma_start3A_37 = tpu.memref_slice %arg3[%dma_start3A_35, %dma_start3A_36] : memref<1000000x64xf32, #tpu.memory_space<hbm>> -> memref<1000000x64xf32, #tpu.memory_space<hbm>>
    tpu.enqueue_indirect_dma source(%dma_start3A_37 : memref<1000000x64xf32, #tpu.memory_space<hbm>>) target(%dma_start3A_31 : memref<128x64xf32, #tpu.memory_space<vmem>>) offsets(%dma_start3A_34 : memref<128xi32, #tpu.memory_space<vmem>>) semaphore(%arg7 : memref<!tpu.dma_semaphore, #tpu.memory_space<semaphore_mem>>)
    %dma_start3A_38 = arith.constant 3 : i32
    %dma_start3A_39 = arith.constant 0 : i32
    %dma_start3A_40 = arith.constant 384 : i32
    %dma_start3A_41 = arith.constant 0 : i32
    %dma_start3A_42 = tpu.memref_slice %arg6[%dma_start3A_39, %dma_start3A_40, %dma_start3A_41] : memref<2x640x64xf32, #tpu.memory_space<vmem>> -> memref<1x128x64xf32, #tpu.memory_space<vmem>>
    %dma_start3A_43 = tpu.memref_squeeze %dma_start3A_42 : memref<1x128x64xf32, #tpu.memory_space<vmem>> -> memref<128x64xf32, #tpu.memory_space<vmem>>
    %dma_start3A_44 = arith.constant 0 : i32
    %dma_start3A_45 = tpu.memref_slice %arg5[%dma_start3A_38, %dma_start3A_44] : memref<50x128xi32, #tpu.memory_space<vmem>> -> memref<1x128xi32, #tpu.memory_space<vmem>>
    %dma_start3A_46 = tpu.memref_squeeze %dma_start3A_45 : memref<1x128xi32, #tpu.memory_space<vmem>> -> memref<128xi32, #tpu.memory_space<vmem>>
    %dma_start3A_47 = arith.constant 0 : i32
    %dma_start3A_48 = arith.constant 0 : i32
    %dma_start3A_49 = tpu.memref_slice %arg3[%dma_start3A_47, %dma_start3A_48] : memref<1000000x64xf32, #tpu.memory_space<hbm>> -> memref<1000000x64xf32, #tpu.memory_space<hbm>>
    tpu.enqueue_indirect_dma source(%dma_start3A_49 : memref<1000000x64xf32, #tpu.memory_space<hbm>>) target(%dma_start3A_43 : memref<128x64xf32, #tpu.memory_space<vmem>>) offsets(%dma_start3A_46 : memref<128xi32, #tpu.memory_space<vmem>>) semaphore(%arg7 : memref<!tpu.dma_semaphore, #tpu.memory_space<semaphore_mem>>)
    %dma_start3A_50 = arith.constant 4 : i32
    %dma_start3A_51 = arith.constant 0 : i32
    %dma_start3A_52 = arith.constant 512 : i32
    %dma_start3A_53 = arith.constant 0 : i32
    %dma_start3A_54 = tpu.memref_slice %arg6[%dma_start3A_51, %dma_start3A_52, %dma_start3A_53] : memref<2x640x64xf32, #tpu.memory_space<vmem>> -> memref<1x128x64xf32, #tpu.memory_space<vmem>>
    %dma_start3A_55 = tpu.memref_squeeze %dma_start3A_54 : memref<1x128x64xf32, #tpu.memory_space<vmem>> -> memref<128x64xf32, #tpu.memory_space<vmem>>
    %dma_start3A_56 = arith.constant 0 : i32
    %dma_start3A_57 = tpu.memref_slice %arg5[%dma_start3A_50, %dma_start3A_56] : memref<50x128xi32, #tpu.memory_space<vmem>> -> memref<1x128xi32, #tpu.memory_space<vmem>>
    %dma_start3A_58 = tpu.memref_squeeze %dma_start3A_57 : memref<1x128xi32, #tpu.memory_space<vmem>> -> memref<128xi32, #tpu.memory_space<vmem>>
    %dma_start3A_59 = arith.constant 0 : i32
    %dma_start3A_60 = arith.constant 0 : i32
    %dma_start3A_61 = tpu.memref_slice %arg3[%dma_start3A_59, %dma_start3A_60] : memref<1000000x64xf32, #tpu.memory_space<hbm>> -> memref<1000000x64xf32, #tpu.memory_space<hbm>>
    tpu.enqueue_indirect_dma source(%dma_start3A_61 : memref<1000000x64xf32, #tpu.memory_space<hbm>>) target(%dma_start3A_55 : memref<128x64xf32, #tpu.memory_space<vmem>>) offsets(%dma_start3A_58 : memref<128xi32, #tpu.memory_space<vmem>>) semaphore(%arg7 : memref<!tpu.dma_semaphore, #tpu.memory_space<semaphore_mem>>)
    %scan3A = arith.constant 0 : i32
    %scan3A_62 = arith.constant 0 : i32
    %scan3A_63 = arith.constant 10 : i32
    %scan3A_64 = arith.addi %scan3A_62, %scan3A_63 : i32
    %scan3A_65 = arith.constant 1 : i32
    scf.for %scan3A_99 = %scan3A_62 to %scan3A_64 step %scan3A_65  : i32 {
      %rem3A_100 = arith.constant 2 : i32
      %rem3A_101 = arith.remsi %scan3A_99, %rem3A_100 : i32
      %add3A_102 = arith.constant 1 : i32
      %add3A_103 = arith.addi %scan3A_99, %add3A_102 : i32
      %rem3A_104 = arith.constant 2 : i32
      %rem3A_105 = arith.remsi %add3A_103, %rem3A_104 : i32
      %add3A_106 = arith.constant 1 : i32
      %add3A_107 = arith.addi %scan3A_99, %add3A_106 : i32
      %lt3A = arith.constant 10 : i32
      %lt3A_108 = arith.cmpi slt, %add3A_107, %lt3A : i32
      %convert_element_type3A = arith.extui %lt3A_108 : i1 to i32
      %cond3A = arith.constant 0 : i32
      %cond3A_109 = arith.cmpi ne, %convert_element_type3A, %cond3A : i32
      scf.if %cond3A_109 {
        %add3A_199 = arith.constant 1 : i32
        %add3A_200 = arith.addi %scan3A_99, %add3A_199 : i32
        %mul3A_201 = arith.constant 5 : i32
        %mul3A_202 = arith.muli %add3A_200, %mul3A_201 : i32
        %add3A_203 = arith.constant 0 : i32
        %add3A_204 = arith.addi %mul3A_202, %add3A_203 : i32
        %mul3A_205 = arith.constant 5 : i32
        %mul3A_206 = arith.muli %add3A_200, %mul3A_205 : i32
        %add3A_207 = arith.constant 1 : i32
        %add3A_208 = arith.addi %mul3A_206, %add3A_207 : i32
        %mul3A_209 = arith.constant 5 : i32
        %mul3A_210 = arith.muli %add3A_200, %mul3A_209 : i32
        %add3A_211 = arith.constant 2 : i32
        %add3A_212 = arith.addi %mul3A_210, %add3A_211 : i32
        %mul3A_213 = arith.constant 5 : i32
        %mul3A_214 = arith.muli %add3A_200, %mul3A_213 : i32
        %add3A_215 = arith.constant 3 : i32
        %add3A_216 = arith.addi %mul3A_214, %add3A_215 : i32
        %mul3A_217 = arith.constant 5 : i32
        %mul3A_218 = arith.muli %add3A_200, %mul3A_217 : i32
        %add3A_219 = arith.constant 4 : i32
        %add3A_220 = arith.addi %mul3A_218, %add3A_219 : i32
        %dma_start3A_221 = arith.constant 0 : i32
        %dma_start3A_222 = arith.constant 0 : i32
        %dma_start3A_223 = tpu.memref_slice %arg6[%rem3A_105, %dma_start3A_221, %dma_start3A_222] : memref<2x640x64xf32, #tpu.memory_space<vmem>> -> memref<1x128x64xf32, #tpu.memory_space<vmem>>
        %dma_start3A_224 = tpu.memref_squeeze %dma_start3A_223 : memref<1x128x64xf32, #tpu.memory_space<vmem>> -> memref<128x64xf32, #tpu.memory_space<vmem>>
        %dma_start3A_225 = arith.constant 0 : i32
        %dma_start3A_226 = tpu.memref_slice %arg5[%add3A_204, %dma_start3A_225] : memref<50x128xi32, #tpu.memory_space<vmem>> -> memref<1x128xi32, #tpu.memory_space<vmem>>
        %dma_start3A_227 = tpu.memref_squeeze %dma_start3A_226 : memref<1x128xi32, #tpu.memory_space<vmem>> -> memref<128xi32, #tpu.memory_space<vmem>>
        %dma_start3A_228 = arith.constant 0 : i32
        %dma_start3A_229 = arith.constant 0 : i32
        %dma_start3A_230 = tpu.memref_slice %arg3[%dma_start3A_228, %dma_start3A_229] : memref<1000000x64xf32, #tpu.memory_space<hbm>> -> memref<1000000x64xf32, #tpu.memory_space<hbm>>
        tpu.enqueue_indirect_dma source(%dma_start3A_230 : memref<1000000x64xf32, #tpu.memory_space<hbm>>) target(%dma_start3A_224 : memref<128x64xf32, #tpu.memory_space<vmem>>) offsets(%dma_start3A_227 : memref<128xi32, #tpu.memory_space<vmem>>) semaphore(%arg7 : memref<!tpu.dma_semaphore, #tpu.memory_space<semaphore_mem>>)
        %dma_start3A_231 = arith.constant 128 : i32
        %dma_start3A_232 = arith.constant 0 : i32
        %dma_start3A_233 = tpu.memref_slice %arg6[%rem3A_105, %dma_start3A_231, %dma_start3A_232] : memref<2x640x64xf32, #tpu.memory_space<vmem>> -> memref<1x128x64xf32, #tpu.memory_space<vmem>>
        %dma_start3A_234 = tpu.memref_squeeze %dma_start3A_233 : memref<1x128x64xf32, #tpu.memory_space<vmem>> -> memref<128x64xf32, #tpu.memory_space<vmem>>
        %dma_start3A_235 = arith.constant 0 : i32
        %dma_start3A_236 = tpu.memref_slice %arg5[%add3A_208, %dma_start3A_235] : memref<50x128xi32, #tpu.memory_space<vmem>> -> memref<1x128xi32, #tpu.memory_space<vmem>>
        %dma_start3A_237 = tpu.memref_squeeze %dma_start3A_236 : memref<1x128xi32, #tpu.memory_space<vmem>> -> memref<128xi32, #tpu.memory_space<vmem>>
        %dma_start3A_238 = arith.constant 0 : i32
        %dma_start3A_239 = arith.constant 0 : i32
        %dma_start3A_240 = tpu.memref_slice %arg3[%dma_start3A_238, %dma_start3A_239] : memref<1000000x64xf32, #tpu.memory_space<hbm>> -> memref<1000000x64xf32, #tpu.memory_space<hbm>>
        tpu.enqueue_indirect_dma source(%dma_start3A_240 : memref<1000000x64xf32, #tpu.memory_space<hbm>>) target(%dma_start3A_234 : memref<128x64xf32, #tpu.memory_space<vmem>>) offsets(%dma_start3A_237 : memref<128xi32, #tpu.memory_space<vmem>>) semaphore(%arg7 : memref<!tpu.dma_semaphore, #tpu.memory_space<semaphore_mem>>)
        %dma_start3A_241 = arith.constant 256 : i32
        %dma_start3A_242 = arith.constant 0 : i32
        %dma_start3A_243 = tpu.memref_slice %arg6[%rem3A_105, %dma_start3A_241, %dma_start3A_242] : memref<2x640x64xf32, #tpu.memory_space<vmem>> -> memref<1x128x64xf32, #tpu.memory_space<vmem>>
        %dma_start3A_244 = tpu.memref_squeeze %dma_start3A_243 : memref<1x128x64xf32, #tpu.memory_space<vmem>> -> memref<128x64xf32, #tpu.memory_space<vmem>>
        %dma_start3A_245 = arith.constant 0 : i32
        %dma_start3A_246 = tpu.memref_slice %arg5[%add3A_212, %dma_start3A_245] : memref<50x128xi32, #tpu.memory_space<vmem>> -> memref<1x128xi32, #tpu.memory_space<vmem>>
        %dma_start3A_247 = tpu.memref_squeeze %dma_start3A_246 : memref<1x128xi32, #tpu.memory_space<vmem>> -> memref<128xi32, #tpu.memory_space<vmem>>
        %dma_start3A_248 = arith.constant 0 : i32
        %dma_start3A_249 = arith.constant 0 : i32
        %dma_start3A_250 = tpu.memref_slice %arg3[%dma_start3A_248, %dma_start3A_249] : memref<1000000x64xf32, #tpu.memory_space<hbm>> -> memref<1000000x64xf32, #tpu.memory_space<hbm>>
        tpu.enqueue_indirect_dma source(%dma_start3A_250 : memref<1000000x64xf32, #tpu.memory_space<hbm>>) target(%dma_start3A_244 : memref<128x64xf32, #tpu.memory_space<vmem>>) offsets(%dma_start3A_247 : memref<128xi32, #tpu.memory_space<vmem>>) semaphore(%arg7 : memref<!tpu.dma_semaphore, #tpu.memory_space<semaphore_mem>>)
        %dma_start3A_251 = arith.constant 384 : i32
        %dma_start3A_252 = arith.constant 0 : i32
        %dma_start3A_253 = tpu.memref_slice %arg6[%rem3A_105, %dma_start3A_251, %dma_start3A_252] : memref<2x640x64xf32, #tpu.memory_space<vmem>> -> memref<1x128x64xf32, #tpu.memory_space<vmem>>
        %dma_start3A_254 = tpu.memref_squeeze %dma_start3A_253 : memref<1x128x64xf32, #tpu.memory_space<vmem>> -> memref<128x64xf32, #tpu.memory_space<vmem>>
        %dma_start3A_255 = arith.constant 0 : i32
        %dma_start3A_256 = tpu.memref_slice %arg5[%add3A_216, %dma_start3A_255] : memref<50x128xi32, #tpu.memory_space<vmem>> -> memref<1x128xi32, #tpu.memory_space<vmem>>
        %dma_start3A_257 = tpu.memref_squeeze %dma_start3A_256 : memref<1x128xi32, #tpu.memory_space<vmem>> -> memref<128xi32, #tpu.memory_space<vmem>>
        %dma_start3A_258 = arith.constant 0 : i32
        %dma_start3A_259 = arith.constant 0 : i32
        %dma_start3A_260 = tpu.memref_slice %arg3[%dma_start3A_258, %dma_start3A_259] : memref<1000000x64xf32, #tpu.memory_space<hbm>> -> memref<1000000x64xf32, #tpu.memory_space<hbm>>
        tpu.enqueue_indirect_dma source(%dma_start3A_260 : memref<1000000x64xf32, #tpu.memory_space<hbm>>) target(%dma_start3A_254 : memref<128x64xf32, #tpu.memory_space<vmem>>) offsets(%dma_start3A_257 : memref<128xi32, #tpu.memory_space<vmem>>) semaphore(%arg7 : memref<!tpu.dma_semaphore, #tpu.memory_space<semaphore_mem>>)
        %dma_start3A_261 = arith.constant 512 : i32
        %dma_start3A_262 = arith.constant 0 : i32
        %dma_start3A_263 = tpu.memref_slice %arg6[%rem3A_105, %dma_start3A_261, %dma_start3A_262] : memref<2x640x64xf32, #tpu.memory_space<vmem>> -> memref<1x128x64xf32, #tpu.memory_space<vmem>>
        %dma_start3A_264 = tpu.memref_squeeze %dma_start3A_263 : memref<1x128x64xf32, #tpu.memory_space<vmem>> -> memref<128x64xf32, #tpu.memory_space<vmem>>
        %dma_start3A_265 = arith.constant 0 : i32
        %dma_start3A_266 = tpu.memref_slice %arg5[%add3A_220, %dma_start3A_265] : memref<50x128xi32, #tpu.memory_space<vmem>> -> memref<1x128xi32, #tpu.memory_space<vmem>>
        %dma_start3A_267 = tpu.memref_squeeze %dma_start3A_266 : memref<1x128xi32, #tpu.memory_space<vmem>> -> memref<128xi32, #tpu.memory_space<vmem>>
        %dma_start3A_268 = arith.constant 0 : i32
        %dma_start3A_269 = arith.constant 0 : i32
        %dma_start3A_270 = tpu.memref_slice %arg3[%dma_start3A_268, %dma_start3A_269] : memref<1000000x64xf32, #tpu.memory_space<hbm>> -> memref<1000000x64xf32, #tpu.memory_space<hbm>>
        tpu.enqueue_indirect_dma source(%dma_start3A_270 : memref<1000000x64xf32, #tpu.memory_space<hbm>>) target(%dma_start3A_264 : memref<128x64xf32, #tpu.memory_space<vmem>>) offsets(%dma_start3A_267 : memref<128xi32, #tpu.memory_space<vmem>>) semaphore(%arg7 : memref<!tpu.dma_semaphore, #tpu.memory_space<semaphore_mem>>)
      } else {
      }
      %mul3A_110 = arith.constant 5 : i32
      %mul3A_111 = arith.muli %scan3A_99, %mul3A_110 : i32
      %add3A_112 = arith.constant 0 : i32
      %add3A_113 = arith.addi %mul3A_111, %add3A_112 : i32
      %mul3A_114 = arith.constant 5 : i32
      %mul3A_115 = arith.muli %scan3A_99, %mul3A_114 : i32
      %add3A_116 = arith.constant 1 : i32
      %add3A_117 = arith.addi %mul3A_115, %add3A_116 : i32
      %mul3A_118 = arith.constant 5 : i32
      %mul3A_119 = arith.muli %scan3A_99, %mul3A_118 : i32
      %add3A_120 = arith.constant 2 : i32
      %add3A_121 = arith.addi %mul3A_119, %add3A_120 : i32
      %mul3A_122 = arith.constant 5 : i32
      %mul3A_123 = arith.muli %scan3A_99, %mul3A_122 : i32
      %add3A_124 = arith.constant 3 : i32
      %add3A_125 = arith.addi %mul3A_123, %add3A_124 : i32
      %mul3A_126 = arith.constant 5 : i32
      %mul3A_127 = arith.muli %scan3A_99, %mul3A_126 : i32
      %add3A_128 = arith.constant 4 : i32
      %add3A_129 = arith.addi %mul3A_127, %add3A_128 : i32
      %dma_wait3A_130 = arith.constant 0 : i32
      %dma_wait3A_131 = arith.constant 0 : i32
      %dma_wait3A_132 = tpu.memref_slice %arg6[%rem3A_101, %dma_wait3A_130, %dma_wait3A_131] : memref<2x640x64xf32, #tpu.memory_space<vmem>> -> memref<1x128x64xf32, #tpu.memory_space<vmem>>
      %dma_wait3A_133 = tpu.memref_squeeze %dma_wait3A_132 : memref<1x128x64xf32, #tpu.memory_space<vmem>> -> memref<128x64xf32, #tpu.memory_space<vmem>>
      %dma_wait3A_134 = arith.constant 0 : i32
      %dma_wait3A_135 = tpu.memref_slice %arg5[%add3A_113, %dma_wait3A_134] : memref<50x128xi32, #tpu.memory_space<vmem>> -> memref<1x128xi32, #tpu.memory_space<vmem>>
      %dma_wait3A_136 = tpu.memref_squeeze %dma_wait3A_135 : memref<1x128xi32, #tpu.memory_space<vmem>> -> memref<128xi32, #tpu.memory_space<vmem>>
      %dma_wait3A_137 = arith.constant 0 : i32
      %dma_wait3A_138 = arith.constant 0 : i32
      %dma_wait3A_139 = tpu.memref_slice %arg3[%dma_wait3A_137, %dma_wait3A_138] : memref<1000000x64xf32, #tpu.memory_space<hbm>> -> memref<1000000x64xf32, #tpu.memory_space<hbm>>
      tpu.wait_indirect_dma semaphore(%arg7 : memref<!tpu.dma_semaphore, #tpu.memory_space<semaphore_mem>>) src(%dma_wait3A_139 : memref<1000000x64xf32, #tpu.memory_space<hbm>>) dst(%dma_wait3A_133 : memref<128x64xf32, #tpu.memory_space<vmem>>)
      %dma_wait3A_140 = arith.constant 128 : i32
      %dma_wait3A_141 = arith.constant 0 : i32
      %dma_wait3A_142 = tpu.memref_slice %arg6[%rem3A_101, %dma_wait3A_140, %dma_wait3A_141] : memref<2x640x64xf32, #tpu.memory_space<vmem>> -> memref<1x128x64xf32, #tpu.memory_space<vmem>>
      %dma_wait3A_143 = tpu.memref_squeeze %dma_wait3A_142 : memref<1x128x64xf32, #tpu.memory_space<vmem>> -> memref<128x64xf32, #tpu.memory_space<vmem>>
      %dma_wait3A_144 = arith.constant 0 : i32
      %dma_wait3A_145 = tpu.memref_slice %arg5[%add3A_117, %dma_wait3A_144] : memref<50x128xi32, #tpu.memory_space<vmem>> -> memref<1x128xi32, #tpu.memory_space<vmem>>
      %dma_wait3A_146 = tpu.memref_squeeze %dma_wait3A_145 : memref<1x128xi32, #tpu.memory_space<vmem>> -> memref<128xi32, #tpu.memory_space<vmem>>
      %dma_wait3A_147 = arith.constant 0 : i32
      %dma_wait3A_148 = arith.constant 0 : i32
      %dma_wait3A_149 = tpu.memref_slice %arg3[%dma_wait3A_147, %dma_wait3A_148] : memref<1000000x64xf32, #tpu.memory_space<hbm>> -> memref<1000000x64xf32, #tpu.memory_space<hbm>>
      tpu.wait_indirect_dma semaphore(%arg7 : memref<!tpu.dma_semaphore, #tpu.memory_space<semaphore_mem>>) src(%dma_wait3A_149 : memref<1000000x64xf32, #tpu.memory_space<hbm>>) dst(%dma_wait3A_143 : memref<128x64xf32, #tpu.memory_space<vmem>>)
      %dma_wait3A_150 = arith.constant 256 : i32
      %dma_wait3A_151 = arith.constant 0 : i32
      %dma_wait3A_152 = tpu.memref_slice %arg6[%rem3A_101, %dma_wait3A_150, %dma_wait3A_151] : memref<2x640x64xf32, #tpu.memory_space<vmem>> -> memref<1x128x64xf32, #tpu.memory_space<vmem>>
      %dma_wait3A_153 = tpu.memref_squeeze %dma_wait3A_152 : memref<1x128x64xf32, #tpu.memory_space<vmem>> -> memref<128x64xf32, #tpu.memory_space<vmem>>
      %dma_wait3A_154 = arith.constant 0 : i32
      %dma_wait3A_155 = tpu.memref_slice %arg5[%add3A_121, %dma_wait3A_154] : memref<50x128xi32, #tpu.memory_space<vmem>> -> memref<1x128xi32, #tpu.memory_space<vmem>>
      %dma_wait3A_156 = tpu.memref_squeeze %dma_wait3A_155 : memref<1x128xi32, #tpu.memory_space<vmem>> -> memref<128xi32, #tpu.memory_space<vmem>>
      %dma_wait3A_157 = arith.constant 0 : i32
      %dma_wait3A_158 = arith.constant 0 : i32
      %dma_wait3A_159 = tpu.memref_slice %arg3[%dma_wait3A_157, %dma_wait3A_158] : memref<1000000x64xf32, #tpu.memory_space<hbm>> -> memref<1000000x64xf32, #tpu.memory_space<hbm>>
      tpu.wait_indirect_dma semaphore(%arg7 : memref<!tpu.dma_semaphore, #tpu.memory_space<semaphore_mem>>) src(%dma_wait3A_159 : memref<1000000x64xf32, #tpu.memory_space<hbm>>) dst(%dma_wait3A_153 : memref<128x64xf32, #tpu.memory_space<vmem>>)
      %dma_wait3A_160 = arith.constant 384 : i32
      %dma_wait3A_161 = arith.constant 0 : i32
      %dma_wait3A_162 = tpu.memref_slice %arg6[%rem3A_101, %dma_wait3A_160, %dma_wait3A_161] : memref<2x640x64xf32, #tpu.memory_space<vmem>> -> memref<1x128x64xf32, #tpu.memory_space<vmem>>
      %dma_wait3A_163 = tpu.memref_squeeze %dma_wait3A_162 : memref<1x128x64xf32, #tpu.memory_space<vmem>> -> memref<128x64xf32, #tpu.memory_space<vmem>>
      %dma_wait3A_164 = arith.constant 0 : i32
      %dma_wait3A_165 = tpu.memref_slice %arg5[%add3A_125, %dma_wait3A_164] : memref<50x128xi32, #tpu.memory_space<vmem>> -> memref<1x128xi32, #tpu.memory_space<vmem>>
      %dma_wait3A_166 = tpu.memref_squeeze %dma_wait3A_165 : memref<1x128xi32, #tpu.memory_space<vmem>> -> memref<128xi32, #tpu.memory_space<vmem>>
      %dma_wait3A_167 = arith.constant 0 : i32
      %dma_wait3A_168 = arith.constant 0 : i32
      %dma_wait3A_169 = tpu.memref_slice %arg3[%dma_wait3A_167, %dma_wait3A_168] : memref<1000000x64xf32, #tpu.memory_space<hbm>> -> memref<1000000x64xf32, #tpu.memory_space<hbm>>
      tpu.wait_indirect_dma semaphore(%arg7 : memref<!tpu.dma_semaphore, #tpu.memory_space<semaphore_mem>>) src(%dma_wait3A_169 : memref<1000000x64xf32, #tpu.memory_space<hbm>>) dst(%dma_wait3A_163 : memref<128x64xf32, #tpu.memory_space<vmem>>)
      %dma_wait3A_170 = arith.constant 512 : i32
      %dma_wait3A_171 = arith.constant 0 : i32
      %dma_wait3A_172 = tpu.memref_slice %arg6[%rem3A_101, %dma_wait3A_170, %dma_wait3A_171] : memref<2x640x64xf32, #tpu.memory_space<vmem>> -> memref<1x128x64xf32, #tpu.memory_space<vmem>>
      %dma_wait3A_173 = tpu.memref_squeeze %dma_wait3A_172 : memref<1x128x64xf32, #tpu.memory_space<vmem>> -> memref<128x64xf32, #tpu.memory_space<vmem>>
      %dma_wait3A_174 = arith.constant 0 : i32
      %dma_wait3A_175 = tpu.memref_slice %arg5[%add3A_129, %dma_wait3A_174] : memref<50x128xi32, #tpu.memory_space<vmem>> -> memref<1x128xi32, #tpu.memory_space<vmem>>
      %dma_wait3A_176 = tpu.memref_squeeze %dma_wait3A_175 : memref<1x128xi32, #tpu.memory_space<vmem>> -> memref<128xi32, #tpu.memory_space<vmem>>
      %dma_wait3A_177 = arith.constant 0 : i32
      %dma_wait3A_178 = arith.constant 0 : i32
      %dma_wait3A_179 = tpu.memref_slice %arg3[%dma_wait3A_177, %dma_wait3A_178] : memref<1000000x64xf32, #tpu.memory_space<hbm>> -> memref<1000000x64xf32, #tpu.memory_space<hbm>>
      tpu.wait_indirect_dma semaphore(%arg7 : memref<!tpu.dma_semaphore, #tpu.memory_space<semaphore_mem>>) src(%dma_wait3A_179 : memref<1000000x64xf32, #tpu.memory_space<hbm>>) dst(%dma_wait3A_173 : memref<128x64xf32, #tpu.memory_space<vmem>>)
      %ge3A = arith.constant 2 : i32
      %ge3A_180 = arith.cmpi sge, %scan3A_99, %ge3A : i32
      %convert_element_type3A_181 = arith.extui %ge3A_180 : i1 to i32
      %cond3A_182 = arith.constant 0 : i32
      %cond3A_183 = arith.cmpi ne, %convert_element_type3A_181, %cond3A_182 : i32
      scf.if %cond3A_183 {
        %sub3A = arith.constant 2 : i32
        %sub3A_199 = arith.subi %scan3A_99, %sub3A : i32
        %mul3A_200 = arith.constant 640 : i32
        %mul3A_201 = arith.muli %sub3A_199, %mul3A_200 : i32
        %add3A_202 = arith.addi %mul3A_2, %mul3A_201 : i32
        %dma_wait3A_203 = arith.constant 0 : i32
        %dma_wait3A_204 = arith.constant 0 : i32
        %dma_wait3A_205 = tpu.memref_slice %arg6[%rem3A_101, %dma_wait3A_203, %dma_wait3A_204] : memref<2x640x64xf32, #tpu.memory_space<vmem>> -> memref<1x640x64xf32, #tpu.memory_space<vmem>>
        %dma_wait3A_206 = tpu.memref_squeeze %dma_wait3A_205 : memref<1x640x64xf32, #tpu.memory_space<vmem>> -> memref<640x64xf32, #tpu.memory_space<vmem>>
        %dma_wait3A_207 = arith.constant 0 : i32
        %dma_wait3A_208 = tpu.memref_slice %arg4[%add3A_202, %dma_wait3A_207] : memref<204800x64xf32, #tpu.memory_space<hbm>> -> memref<640x64xf32, #tpu.memory_space<hbm>>
        %dma_wait3A_209 = arith.constant 0 : i32
        %dma_wait3A_210 = tpu.memref_slice %arg4[%add3A_202, %dma_wait3A_209] : memref<204800x64xf32, #tpu.memory_space<hbm>> -> memref<640x64xf32, #tpu.memory_space<hbm>>
        %dma_wait3A_211 = arith.constant 0 : i32
        %dma_wait3A_212 = arith.constant 0 : i32
        %dma_wait3A_213 = tpu.memref_slice %arg6[%rem3A_101, %dma_wait3A_211, %dma_wait3A_212] : memref<2x640x64xf32, #tpu.memory_space<vmem>> -> memref<1x640x64xf32, #tpu.memory_space<vmem>>
        %dma_wait3A_214 = tpu.memref_squeeze %dma_wait3A_213 : memref<1x640x64xf32, #tpu.memory_space<vmem>> -> memref<640x64xf32, #tpu.memory_space<vmem>>
        tpu.wait_dma2 semaphore(%arg8 : memref<!tpu.dma_semaphore, #tpu.memory_space<semaphore_mem>>) src(%dma_wait3A_214 : memref<640x64xf32, #tpu.memory_space<vmem>>) dst(%dma_wait3A_210 : memref<640x64xf32, #tpu.memory_space<hbm>>)
      } else {
      }
      %mul3A_184 = arith.constant 640 : i32
      %mul3A_185 = arith.muli %scan3A_99, %mul3A_184 : i32
      %add3A_186 = arith.addi %mul3A_2, %mul3A_185 : i32
      %dma_start3A_187 = arith.constant 0 : i32
      %dma_start3A_188 = arith.constant 0 : i32
      %dma_start3A_189 = tpu.memref_slice %arg6[%rem3A_101, %dma_start3A_187, %dma_start3A_188] : memref<2x640x64xf32, #tpu.memory_space<vmem>> -> memref<1x640x64xf32, #tpu.memory_space<vmem>>
      %dma_start3A_190 = tpu.memref_squeeze %dma_start3A_189 : memref<1x640x64xf32, #tpu.memory_space<vmem>> -> memref<640x64xf32, #tpu.memory_space<vmem>>
      %dma_start3A_191 = arith.constant 0 : i32
      %dma_start3A_192 = tpu.memref_slice %arg4[%add3A_186, %dma_start3A_191] : memref<204800x64xf32, #tpu.memory_space<hbm>> -> memref<640x64xf32, #tpu.memory_space<hbm>>
      %dma_start3A_193 = arith.constant 0 : i32
      %dma_start3A_194 = tpu.memref_slice %arg4[%add3A_186, %dma_start3A_193] : memref<204800x64xf32, #tpu.memory_space<hbm>> -> memref<640x64xf32, #tpu.memory_space<hbm>>
      %dma_start3A_195 = arith.constant 0 : i32
      %dma_start3A_196 = arith.constant 0 : i32
      %dma_start3A_197 = tpu.memref_slice %arg6[%rem3A_101, %dma_start3A_195, %dma_start3A_196] : memref<2x640x64xf32, #tpu.memory_space<vmem>> -> memref<1x640x64xf32, #tpu.memory_space<vmem>>
      %dma_start3A_198 = tpu.memref_squeeze %dma_start3A_197 : memref<1x640x64xf32, #tpu.memory_space<vmem>> -> memref<640x64xf32, #tpu.memory_space<vmem>>
      tpu.enqueue_dma source(%dma_start3A_198 : memref<640x64xf32, #tpu.memory_space<vmem>>) target(%dma_start3A_194 : memref<640x64xf32, #tpu.memory_space<hbm>>) target_semaphore(%arg8 : memref<!tpu.dma_semaphore, #tpu.memory_space<semaphore_mem>>)
    }
    %scan3A_66 = arith.constant 10 : i32
    %rem3A = arith.constant 8 : i32
    %rem3A_67 = arith.constant 2 : i32
    %rem3A_68 = arith.remsi %rem3A, %rem3A_67 : i32
    %add3A_69 = arith.constant 5120 : i32
    %add3A_70 = arith.addi %mul3A_2, %add3A_69 : i32
    %dma_wait3A = arith.constant 0 : i32
    %dma_wait3A_71 = arith.constant 0 : i32
    %dma_wait3A_72 = tpu.memref_slice %arg6[%rem3A_68, %dma_wait3A, %dma_wait3A_71] : memref<2x640x64xf32, #tpu.memory_space<vmem>> -> memref<1x640x64xf32, #tpu.memory_space<vmem>>
    %dma_wait3A_73 = tpu.memref_squeeze %dma_wait3A_72 : memref<1x640x64xf32, #tpu.memory_space<vmem>> -> memref<640x64xf32, #tpu.memory_space<vmem>>
    %dma_wait3A_74 = arith.constant 0 : i32
    %dma_wait3A_75 = tpu.memref_slice %arg4[%add3A_70, %dma_wait3A_74] : memref<204800x64xf32, #tpu.memory_space<hbm>> -> memref<640x64xf32, #tpu.memory_space<hbm>>
    %dma_wait3A_76 = arith.constant 0 : i32
    %dma_wait3A_77 = tpu.memref_slice %arg4[%add3A_70, %dma_wait3A_76] : memref<204800x64xf32, #tpu.memory_space<hbm>> -> memref<640x64xf32, #tpu.memory_space<hbm>>
    %dma_wait3A_78 = arith.constant 0 : i32
    %dma_wait3A_79 = arith.constant 0 : i32
    %dma_wait3A_80 = tpu.memref_slice %arg6[%rem3A_68, %dma_wait3A_78, %dma_wait3A_79] : memref<2x640x64xf32, #tpu.memory_space<vmem>> -> memref<1x640x64xf32, #tpu.memory_space<vmem>>
    %dma_wait3A_81 = tpu.memref_squeeze %dma_wait3A_80 : memref<1x640x64xf32, #tpu.memory_space<vmem>> -> memref<640x64xf32, #tpu.memory_space<vmem>>
    tpu.wait_dma2 semaphore(%arg8 : memref<!tpu.dma_semaphore, #tpu.memory_space<semaphore_mem>>) src(%dma_wait3A_81 : memref<640x64xf32, #tpu.memory_space<vmem>>) dst(%dma_wait3A_77 : memref<640x64xf32, #tpu.memory_space<hbm>>)
    %rem3A_82 = arith.constant 9 : i32
    %rem3A_83 = arith.constant 2 : i32
    %rem3A_84 = arith.remsi %rem3A_82, %rem3A_83 : i32
    %add3A_85 = arith.constant 5760 : i32
    %add3A_86 = arith.addi %mul3A_2, %add3A_85 : i32
    %dma_wait3A_87 = arith.constant 0 : i32
    %dma_wait3A_88 = arith.constant 0 : i32
    %dma_wait3A_89 = tpu.memref_slice %arg6[%rem3A_84, %dma_wait3A_87, %dma_wait3A_88] : memref<2x640x64xf32, #tpu.memory_space<vmem>> -> memref<1x640x64xf32, #tpu.memory_space<vmem>>
    %dma_wait3A_90 = tpu.memref_squeeze %dma_wait3A_89 : memref<1x640x64xf32, #tpu.memory_space<vmem>> -> memref<640x64xf32, #tpu.memory_space<vmem>>
    %dma_wait3A_91 = arith.constant 0 : i32
    %dma_wait3A_92 = tpu.memref_slice %arg4[%add3A_86, %dma_wait3A_91] : memref<204800x64xf32, #tpu.memory_space<hbm>> -> memref<640x64xf32, #tpu.memory_space<hbm>>
    %dma_wait3A_93 = arith.constant 0 : i32
    %dma_wait3A_94 = tpu.memref_slice %arg4[%add3A_86, %dma_wait3A_93] : memref<204800x64xf32, #tpu.memory_space<hbm>> -> memref<640x64xf32, #tpu.memory_space<hbm>>
    %dma_wait3A_95 = arith.constant 0 : i32
    %dma_wait3A_96 = arith.constant 0 : i32
    %dma_wait3A_97 = tpu.memref_slice %arg6[%rem3A_84, %dma_wait3A_95, %dma_wait3A_96] : memref<2x640x64xf32, #tpu.memory_space<vmem>> -> memref<1x640x64xf32, #tpu.memory_space<vmem>>
    %dma_wait3A_98 = tpu.memref_squeeze %dma_wait3A_97 : memref<1x640x64xf32, #tpu.memory_space<vmem>> -> memref<640x64xf32, #tpu.memory_space<vmem>>
    tpu.wait_dma2 semaphore(%arg8 : memref<!tpu.dma_semaphore, #tpu.memory_space<semaphore_mem>>) src(%dma_wait3A_98 : memref<640x64xf32, #tpu.memory_space<vmem>>) dst(%dma_wait3A_94 : memref<640x64xf32, #tpu.memory_space<hbm>>)
    return
  }
}

</mosaic_0001>

<sc_bundles>
// kernel: kernel.3.cloned.1.call-start
scs
__scs_entry_jumppad:
0x0: {  	(pc) =	sbr.rel $0x88, $3  }
0x1: {  	(tag) =	ssettag $0x0;
	lr =	simm.s32 $0x1  }
0x2: {  	[smem:$0x3F9F] =	sst lr;
	_ =	strace $0xD0000000  }
0x3: {  	_ = 	snop  }
0x4: {  	_ = 	snop  }
0x5: {  	_ = 	snop  }
0x6: {  	_ = 	snop  }
0x7: {  	_ = 	snop  }
__scs_overlays_trampoline_lowered:
0x8: {  	[smem:$0x3FAE] =	sst s0  }
0x9: {  	[smem:$0x3FAF] =	sst s1  }
0xa: {  	[smem:$0x3FB0] =	sst s2  }
0xb: {  	[smem:$0x3FB1] =	sst s3  }
0xc: {  	[smem:$0x3FB2] =	sst s4  }
0xd: {  	[smem:$0x3FB3] =	sst s5  }
0xe: {  	[smem:$0x3FB4] =	sst s6  }
0xf: {  	[smem:$0x3FB5] =	sst s7  }
0x10: {  	[smem:$0x3FB6] =	sst s8  }
0x11: {  	[smem:$0x3FB7] =	sst s9;
	s0 =	simm.s32 @!p0 $0x0  }
0x12: {  	s1 =	sld [smem:$0x3F9D];
	s0 =	simm.s32 @p0 $0x1  }
0x13: {  	[smem:$0x3FB8] =	sst s0;
	s0 =	simm.s32 @!p1 $0x0  }
0x14: {  	s2 =	sld [smem:$0x3F9C];
	s0 =	simm.s32 @p1 $0x1  }
0x15: {  	[smem:$0x3FB9] =	sst s0;
	s0 =	simm.s32 @!p2 $0x0  }
0x16: {  	s3 =	sld [smem:$0x3FDB];
	s0 =	simm.s32 @p2 $0x1  }
0x17: {  	s4 =	simm.s32 $0x1BF5;
	[smem:$0x3FBB] =	sst s0  }
0x18: {  	s0 =	sld [smem:$0x3F9E];
	_ =	swait.ge [sflag:s4], $0x0  }
0x19: {  	s7 =	sld [smem:$0x3F9F]  }
0x1a: {  	s8 =	sadd.s32 $0xFFFFE003, lr  }
0x1b: {  	s9 =	sadd.s32 $0xFFFFFEF7, lr;
	s5 =	simm.s32 $0xFFFFFFFF;
	p2 =	slt.u32 s8, $0xFFFFF086  }
0x1c: {  	p1 =	slt.u32 s9, $0xF7A;
	s5 =	simm.s32 @!p2 $0x0  }
0x1d: {  	s5 =	simm.s32 @p1 $0x1;
	p0 =	seq.s32 s7, s2  }
0x1e: {  	s7 =	smul.u32 @!p0 $0xF7A, s2;
	p2 =	seq.s32 @!p0 s5, $0x0  }
0x1f: {  	s9 =	smul.u32 $0xF7A, s1;
	s8 =	simm.s32 @!p0 $0x1BF5;
	p2 =	por !p2, p0  }
0x20: {  	[sflag:s8] =	ssyncset.s32 @!p0 $0xFFFFF086;
	s6 =	sadd.s32 @!p0 s3, s7;
	s7 =	simm.s32 @!p0 $0x108  }
0x21: {  	s3 =	sadd.s32 s3, s9;
	s6 =	sadd.s32 @!p0 $0x88, s6;
	s7 =	simm.s32 @p2 $0x1082  }
0x22: {  	[simem:s7], [sflag:s8] =	dma.local @!p0 [hbm:s6], $0xF7A  }
0x23: {  	s9 =	sor.u32 $0xD0000000, s2;
	s6 =	simm.s32 $0x108;
	_ =	swait.ge @!p0 [sflag:s8], $0x0  }
0x24: {  	s3 =	sadd.s32 $0x88, s3;
	s6 =	simm.s32 @!p1 $0x1082;
	[sflag:s4] =	ssyncset.s32 $0xFFFFF086  }
0x25: {  	[simem:s6], [sflag:s4] =	dma.local [hbm:s3], $0xF7A  }
0x26: {  	[smem:$0x3F9F] =	sst s1;
	(tag) =	ssettag s2;
	_ =	strace s9  }
0x27: {  	s1 =	sld [smem:$0x3FAF]  }
0x28: {  	s2 =	sld [smem:$0x3FB0]  }
0x29: {  	s4 =	sld [smem:$0x3FB2]  }
0x2a: {  	p0 =	seq.s32 s5, $0x0;
	s5 =	sld [smem:$0x3FB3]  }
0x2b: {  	s6 =	sld [smem:$0x3FB4]  }
0x2c: {  	s7 =	sld [smem:$0x3FB5]  }
0x2d: {  	s3 =	simm.s32 $0x108;
	s8 =	sld [smem:$0x3FB6]  }
0x2e: {  	s3 =	simm.s32 @!p0 $0x1082;
	s9 =	sld [smem:$0x3FB7]  }
0x2f: {  	lr =	sadd.s32 s0, s3;
	s0 =	sld [smem:$0x3FAE]  }
0x30: {  	s3 =	sld [smem:$0x3FB1]  }
0x31: {  	[smem:$0x3FBA] =	sst s10  }
0x32: {  	s10 =	sld [smem:$0x3FB8];
	_ =	sdelay $0x3  }
0x33: {  	p0 =	seq.s32 s10, $0x1;
	s10 =	sld [smem:$0x3FBA];
	_ =	sdelay $0x3  }
0x34: {  	[smem:$0x3FBA] =	sst s10  }
0x35: {  	s10 =	sld [smem:$0x3FB9];
	_ =	sdelay $0x3  }
0x36: {  	p1 =	seq.s32 s10, $0x1;
	s10 =	sld [smem:$0x3FBA];
	_ =	sdelay $0x3  }
0x37: {  	[smem:$0x3FBA] =	sst s10  }
0x38: {  	s10 =	sld [smem:$0x3FBB]  }
0x39: {  	_ = 	snop;
	(pc) =	sbr.ind lr, $3  }
0x3a: {  	_ = 	snop  }
0x3b: {  	_ = 	snop  }
0x3c: {  	p2 =	seq.s32 s10, $0x1;
	s10 =	sld [smem:$0x3FBA]  }
0x3d: {  	_ =	shalt  }
0x3e: {  	_ =	shalt  }
0x3f: {  	_ =	shalt  }
0x40: {  	_ =	shalt  }
0x41: {  	_ =	shalt  }
0x42: {  	_ =	shalt  }
0x43: {  	_ =	shalt  }
0x44: {  	_ =	shalt  }
0x45: {  	_ =	shalt  }
0x46: {  	_ =	shalt  }
0x47: {  	_ =	shalt  }
0x48: {  	_ =	shalt  }
0x49: {  	_ =	shalt  }
0x4a: {  	_ =	shalt  }
0x4b: {  	_ =	shalt  }
0x4c: {  	_ =	shalt  }
0x4d: {  	_ =	shalt  }
0x4e: {  	_ =	shalt  }
0x4f: {  	_ =	shalt  }
0x50: {  	_ =	shalt  }
0x51: {  	_ =	shalt  }
0x52: {  	_ =	shalt  }
0x53: {  	_ =	shalt  }
0x54: {  	_ =	shalt  }
0x55: {  	_ =	shalt  }
0x56: {  	_ =	shalt  }
0x57: {  	_ =	shalt  }
0x58: {  	_ =	shalt  }
0x59: {  	_ =	shalt  }
0x5a: {  	_ =	shalt  }
0x5b: {  	_ =	shalt  }
0x5c: {  	_ =	shalt  }
0x5d: {  	_ =	shalt  }
0x5e: {  	_ =	shalt  }
0x5f: {  	_ =	shalt  }
0x60: {  	_ =	shalt  }
0x61: {  	_ =	shalt  }
0x62: {  	_ =	shalt  }
0x63: {  	_ =	shalt  }
0x64: {  	_ =	shalt  }
0x65: {  	_ =	shalt  }
0x66: {  	_ =	shalt  }
0x67: {  	_ =	shalt  }
0x68: {  	_ =	shalt  }
0x69: {  	_ =	shalt  }
0x6a: {  	_ =	shalt  }
0x6b: {  	_ =	shalt  }
0x6c: {  	_ =	shalt  }
0x6d: {  	_ =	shalt  }
0x6e: {  	_ =	shalt  }
0x6f: {  	_ =	shalt  }
0x70: {  	_ =	shalt  }
0x71: {  	_ =	shalt  }
0x72: {  	_ =	shalt  }
0x73: {  	_ =	shalt  }
0x74: {  	_ =	shalt  }
0x75: {  	_ =	shalt  }
0x76: {  	_ =	shalt  }
0x77: {  	_ =	shalt  }
0x78: {  	_ =	shalt  }
0x79: {  	_ =	shalt  }
0x7a: {  	_ =	shalt  }
0x7b: {  	_ =	shalt  }
0x7c: {  	_ =	shalt  }
0x7d: {  	_ =	shalt  }
0x7e: {  	_ =	shalt  }
0x7f: {  	_ =	shalt  }
0x80: {  	_ =	shalt  }
0x81: {  	_ =	shalt  }
0x82: {  	_ =	shalt  }
0x83: {  	_ =	shalt  }
0x84: {  	_ =	shalt  }
0x85: {  	_ =	shalt  }
0x86: {  	_ =	shalt  }
0x87: {  	_ =	shalt  }
.Lfunc_end0:
.L_simem_size_0:
called_computation.1_lowered:
.L_overlay_start_0:
0x88: {  	s2 =	sld [smem:$0x3FD9]  }
0x89: {  	s3 =	sld [smem:$0x3FFE];
	_ =	sdelay $0x1  }
0x8a: {  	s1 =	srdreg.scid  }
0x8b: {  	s0 =	sand.u32 $0x1, s1  }
0x8c: {  	s17 =	sshll.u32 s0, $0xA;
	s2 =	sadd.s32 s3, s2  }
0x8d: {  	s2 =	sadd.s32 s2, s17  }
0x8e: {  	[smem:$0x3FC6] =	sst s2  }
0x8f: {  	_ = 	snop  }
0x90: {  	s2 =	sld [smem:$0x3FD0];
	(tm) =	ssettm $0x1  }
0x91: {  	s18 =	sld [smem:$0x3FFB];
	_ =	sdelay $0x3  }
0x92: {  	_ =	strace s18  }
0x93: {  	s3 =	sld [smem:$0x3FFC];
	_ =	sdelay $0x3  }
0x94: {  	_ =	strace s3  }
0x95: {  	s3 =	sld [smem:$0x3FFD];
	_ =	sdelay $0x3  }
0x96: {  	_ =	strace s3  }
0x97: {  	_ =	strace $0x8FFFFFFF  }
0x98: {  	s19 =	sld [smem:$0x3FDB];
	_ =	sdelay $0x1  }
0x99: {  	s4 =	simm.s32 $_scs_section_size  }
0x9a: {  	s5 =	simm.s32 $_size__tile_overlayer_lowered;
	s6 =	simm.s32 $_tile_overlayer_lowered  }
0x9b: {  	s22 =	simm.s32 $0x1BFF;
	s21 =	sshll.u32 s6, $0x1;
	s3 =	sadd.s32 s4, s19  }
0x9c: {  	s7 =	simm.s32 $0x0;
	s20 =	sshll.u32 s5, $0x1;
	s5 =	sadd.s32 s21, s3  }
0x9d: {  	[timem:s7], [sflag:s22] =	dma.local [hbm:s5], s20  }
0x9e: {  	_ =	swait.ge [sflag:s22], s20  }
0x9f: {  	s4 =	ssub.s32 $0x0, s20;
	[sflag:s22] =	ssyncset.done $0x0  }
0xa0: {  	[sflag:s22] =	ssyncadd.s32 s4;
	_ =	sdelay $0x1  }
0xa1: {  	s23 =	simm.s32 $0x1B8B  }
0xa2: {  	_ =	swait.ge [sflag:s23], $0x1  }
0xa3: {  	[sflag:s23] =	ssyncset.done $0x0  }
0xa4: {  	s25 =	simm.s32 $0x1B8E;
	s24 =	sld [smem:$0x3FFE];
	[sflag:s23] =	ssyncadd.s32 $0xFFFFFFFF  }
0xa5: {  	s26 =	simm.s32 $execute0_lowered;
	[smem:$0x3FD2] =	sst s25  }
0xa6: {  	s5 =	sshll.u32 s26, $0x1;
	_ =	strace $0x80000046;
	[dreg:$0x1] =	wrdreg $0xFFFFFFFF  }
0xa7: {  	s28 =	simm.s32 $_size_execute0_lowered;
	s3 =	sadd.s32 s3, s5;
	[dreg:$0x0] =	wrdreg $0x0  }
0xa8: {  	s5 =	sshll.u32 s28, $0x1;
	[dreg:$0x2] =	wrdreg s3  }
0xa9: {  	[dreg:$0x3] =	wrdreg s5  }
0xaa: {  	[dreg:$0x4] =	wrdreg $0xC0  }
0xab: {  	_ =	task [dreg:s7], $0x5FFFF  }
0xac: {  	[dreg:$0x1] =	wrdreg $0xFFFFFFFF  }
0xad: {  	[dreg:$0x0] =	wrdreg $0x60  }
0xae: {  	[dreg:$0x2] =	wrdreg s24  }
0xaf: {  	[dreg:$0x3] =	wrdreg s2  }
0xb0: {  	[dreg:$0x4] =	wrdreg $0x9  }
0xb1: {  	_ =	task.clear_ibuf [dreg:s7], $0x5FFFF;
	_ =	strace $0x90000046  }
0xb2: {  	s29 =	simm.s32 $0x9;
	_ =	strace $0x80000048  }
0xb3: {  	_ =	swait.ge [sflag:s29], $0x1  }
0xb4: {  	[sflag:s29] =	ssyncadd.s32 $0xFFFFFFFF  }
0xb5: {  	_ =	strace $0x90000048  }
0xb6: {  	_ =	sfence  }
0xb7: {  	s30 =	sld [smem:$0x0];
	_ =	sdelay $0x2  }
0xb8: {  	s31 =	sshll.u32 s1, $0xD;
	s1 =	sshrl.u32 s1, $0x2  }
0xb9: {  	s3 =	sand.u32 $0x4000, s31;
	s1 =	sadd.s32 s1, s30  }
0xba: {  	s0 =	sor.u32 s3, s0;
	s1 =	sshll.u32 s1, $0x11  }
0xbb: {  	s0 =	sor.u32 s1, s0  }
0xbc: {  	s0 =	sadd.s32 $0x8F2B, s0  }
0xbd: {  	[sflag:s0] =	ssyncadd.remote.s32 $0x1  }
0xbe: {  	_ =	sfence.sel $0xFFFF  }
0xbf: {  	[dreg:$0x0] =	wrdreg $0xFFFFFFFF;
	(pc) =	sbr.abs _section_cstart, $3  }
0xc0: {  	[dreg:$0x1] =	wrdreg $0xFFFFFFFF  }
0xc1: {  	_ =	task.clear_ibuf [dreg:s7], $0x2FFFF;
	_ =	strace $0x9FFFFFFF  }
0xc2: {  	(tm) =	ssettm $0x7FFFFFFF  }
0xc3: {  	_ =	shalt  }
tec
execute0_lowered:
.L_overlay_start_1:
0x0: {  	(tag) =	ssettag $0x1  }
0x1: {  	s0 =	srdreg.scid  }
0x2: {  	s8 =	stileid.u32;
	s1 =	rddreg [dreg:$0x0]  }
0x3: {  	s6 =	rddreg [dreg:$0x1];
	s10 =	simm.s32 $0x80;
	s11 =	simm.s32 $0x1900  }
0x4: {  	s12 =	simm.s32 $0x3900;
	s14 =	simm.s32 $0x5900;
	s16 =	simm.s32 $0x7900  }
0x5: {  	s18 =	simm.s32 $0x9900;
	s20 =	simm.s32 $0xB900;
	s30 =	simm.s32 $0x1  }
0x6: {  	s13 =	simm.s32 $0x680;
	s15 =	simm.s32 $0x700;
	s17 =	simm.s32 $0x2  }
0x7: {  	s0 =	sand.u32 $0x1, s0;
	s2 =	sshll.u32 s8, $0x1;
	s8 =	smul.u32 $0x19000, s8  }
0x8: {  	s3 =	sor.u32 s0, s2;
	s5 =	ssub.s32 $0x2, s0;
	s0 =	smul.u32 $0xC800, s0  }
0x9: {  	s19 =	simm.s32 $0x0;
	s2 =	simm.s32 $0x0;
	s4 =	smul.u32 $0x1900, s3  }
0xa: {  	[smem:$0x7FF] =	sst s2;
	s7 =	smul.u32 $0xC800, s3;
	s3 =	sadd.s32 $0xF42E00, s1  }
0xb: {  	s31 =	sshrl.u32 s5, $0x1;
	s8 =	sadd.s32 s8, s6;
	_ =	strace $0x80000047  }
0xc: {  	s0 =	sadd.s32 s0, s8;
	s4 =	sshrl.u32 s4, $0x3;
	s6 =	sadd.s32 s6, s7  }
0xd: {  	s24 =	sadd.s32 $0x2800, s0;
	s0 =	simm.s32 $0x600;
	s4 =	sadd.s32 s4, s1  }
0xe: {  	s1 =	ssub.s32 s5, s31;
	s7 =	sadd.s32 $0x1400, s6;
	s8 =	sadd.s32 $0xB400, s6  }
0xf: {  	s4 =	sadd.s32 $0xA00, s4;
	s5 =	smax.u32 s1, $0x1;
	s1 =	simm.s32 $0x580  }
.LBB2_1:
0x10: {  	[tilespmem:s2], [sflag:$0x3] =	stream.linear.gather [hbm4b:s4+s2], $0x1900, $0x38;
	[tilespmem:$0x15900] =	vst v63  }
0x11: {  	s9 =	simm.s32 $0x3  }
0x12: {  	_ =	swait.ge [sflag:s9], $0x1900  }
0x13: {  	[sflag:s9] =	ssyncset.done $0x0  }
0x14: {  	[sflag:s9] =	ssyncadd.s32 $0xFFFFE700  }
0x15: {  	[tilespmem:s11], [sflag:$0x1] =	stream.indirect.gather [hbm4b:s3+s10], $0x40, s2, s10, $0xb8;
	[tilespmem:$0x15900] =	vst v63  }
0x16: {  	_ = 	snop  }
0x17: {  	[tilespmem:s12], [sflag:$0x1] =	stream.indirect.gather [hbm4b:s3+s10], $0x40, s10, s10, $0xb8;
	[tilespmem:$0x15900] =	vst v63  }
0x18: {  	s21 =	simm.s32 $0x100  }
0x19: {  	[tilespmem:s14], [sflag:$0x1] =	stream.indirect.gather [hbm4b:s3+s10], $0x40, s21, s10, $0xb8;
	[tilespmem:$0x15900] =	vst v63  }
0x1a: {  	s25 =	simm.s32 $0x180  }
0x1b: {  	[tilespmem:s16], [sflag:$0x1] =	stream.indirect.gather [hbm4b:s3+s10], $0x40, s25, s10, $0xb8;
	[tilespmem:$0x15900] =	vst v63  }
0x1c: {  	s26 =	simm.s32 $0x200  }
0x1d: {  	[tilespmem:s18], [sflag:$0x1] =	stream.indirect.gather [hbm4b:s3+s10], $0x40, s26, s10, $0xb8;
	[tilespmem:$0x15900] =	vst v63  }
0x1e: {  	s29 =	simm.s32 $0x280  }
0x1f: {  	[tilespmem:s20], [sflag:$0x1] =	stream.indirect.gather [hbm4b:s3+s10], $0x40, s29, s10, $0xb8;
	[tilespmem:$0x15900] =	vst v63  }
0x20: {  	s31 =	simm.s32 $0x300;
	s22 =	simm.s32 $0xD900  }
0x21: {  	[tilespmem:s22], [sflag:$0x1] =	stream.indirect.gather [hbm4b:s3+s10], $0x40, s31, s10, $0xb8;
	[tilespmem:$0x15900] =	vst v63  }
0x22: {  	s23 =	simm.s32 $0xF900;
	s22 =	simm.s32 $0x380  }
0x23: {  	[tilespmem:s23], [sflag:$0x1] =	stream.indirect.gather [hbm4b:s3+s10], $0x40, s22, s10, $0xb8;
	[tilespmem:$0x15900] =	vst v63  }
0x24: {  	s25 =	simm.s32 $0x400;
	s26 =	simm.s32 $0x11900  }
0x25: {  	[tilespmem:s26], [sflag:$0x1] =	stream.indirect.gather [hbm4b:s3+s10], $0x40, s25, s10, $0xb8;
	[tilespmem:$0x15900] =	vst v63  }
0x26: {  	s29 =	simm.s32 $0x480;
	s31 =	simm.s32 $0x13900  }
0x27: {  	[tilespmem:s31], [sflag:$0x1] =	stream.indirect.gather [hbm4b:s3+s10], $0x40, s29, s10, $0xb8;
	[tilespmem:$0x15900] =	vst v63  }
0x28: {  	_ =	swait.ge [sflag:s30], $0x2000  }
0x29: {  	[sflag:s30] =	ssyncset.done $0x0  }
0x2a: {  	[sflag:s30] =	ssyncadd.s32 $0xFFFFE000  }
0x2b: {  	_ =	swait.ge [sflag:s30], $0x2000  }
0x2c: {  	[sflag:s30] =	ssyncset.done $0x0  }
0x2d: {  	[sflag:s30] =	ssyncadd.s32 $0xFFFFE000  }
0x2e: {  	_ =	swait.ge [sflag:s30], $0x2000  }
0x2f: {  	[sflag:s30] =	ssyncset.done $0x0  }
0x30: {  	[sflag:s30] =	ssyncadd.s32 $0xFFFFE000  }
0x31: {  	_ =	swait.ge [sflag:s30], $0x2000  }
0x32: {  	[sflag:s30] =	ssyncset.done $0x0  }
0x33: {  	[sflag:s30] =	ssyncadd.s32 $0xFFFFE000  }
0x34: {  	_ =	swait.ge [sflag:s30], $0x2000  }
0x35: {  	[sflag:s30] =	ssyncset.done $0x0  }
0x36: {  	[sflag:s30] =	ssyncadd.s32 $0xFFFFE000  }
0x37: {  	[hbm4b:s6+s2] =	stream.linear.scatter [tilespmem:s11], [sflag:$0x2], $0xA000, $0x38;
	[tilespmem:$0x15900] =	vst v63  }
0x38: {  	s23 =	simm.s32 $0x500  }
0x39: {  	[tilespmem:s11], [sflag:$0x1] =	stream.indirect.gather [hbm4b:s3+s10], $0x40, s23, s10, $0xb8;
	[tilespmem:$0x15900] =	vst v63  }
0x3a: {  	_ = 	snop  }
0x3b: {  	[tilespmem:s12], [sflag:$0x1] =	stream.indirect.gather [hbm4b:s3+s10], $0x40, s1, s10, $0xb8;
	[tilespmem:$0x15900] =	vst v63  }
0x3c: {  	_ = 	snop  }
0x3d: {  	[tilespmem:s14], [sflag:$0x1] =	stream.indirect.gather [hbm4b:s3+s10], $0x40, s0, s10, $0xb8;
	[tilespmem:$0x15900] =	vst v63  }
0x3e: {  	_ = 	snop  }
0x3f: {  	[tilespmem:s16], [sflag:$0x1] =	stream.indirect.gather [hbm4b:s3+s10], $0x40, s13, s10, $0xb8;
	[tilespmem:$0x15900] =	vst v63  }
0x40: {  	_ = 	snop  }
0x41: {  	[tilespmem:s18], [sflag:$0x1] =	stream.indirect.gather [hbm4b:s3+s10], $0x40, s15, s10, $0xb8;
	[tilespmem:$0x15900] =	vst v63  }
0x42: {  	_ =	swait.ge [sflag:s30], $0x2000  }
0x43: {  	[sflag:s30] =	ssyncset.done $0x0  }
0x44: {  	[sflag:s30] =	ssyncadd.s32 $0xFFFFE000  }
0x45: {  	_ =	swait.ge [sflag:s30], $0x2000  }
0x46: {  	[sflag:s30] =	ssyncset.done $0x0  }
0x47: {  	[sflag:s30] =	ssyncadd.s32 $0xFFFFE000  }
0x48: {  	_ =	swait.ge [sflag:s30], $0x2000  }
0x49: {  	[sflag:s30] =	ssyncset.done $0x0  }
0x4a: {  	[sflag:s30] =	ssyncadd.s32 $0xFFFFE000  }
0x4b: {  	_ =	swait.ge [sflag:s30], $0x2000  }
0x4c: {  	[sflag:s30] =	ssyncset.done $0x0  }
0x4d: {  	[sflag:s30] =	ssyncadd.s32 $0xFFFFE000  }
0x4e: {  	s9 =	sand.u32 $0x1, s9;
	_ =	swait.ge [sflag:s30], $0x2000  }
0x4f: {  	p1 =	seq.s32 s9, $0x1;
	s9 =	simm.s32 $0xA000;
	[sflag:s30] =	ssyncset.done $0x0  }
0x50: {  	s9 =	simm.s32 @!p1 $0x0;
	[sflag:s30] =	ssyncadd.s32 $0xFFFFE000  }
0x51: {  	[hbm4b:s7+s2] =	stream.linear.scatter [tilespmem:s20], [sflag:$0x2], $0xA000, $0x38;
	[tilespmem:$0x15900] =	vst v63  }
0x52: {  	s25 =	sor.u32 $0x1900, s9;
	s26 =	simm.s32 $0x780  }
0x53: {  	[tilespmem:s25], [sflag:$0x1] =	stream.indirect.gather [hbm4b:s3+s10], $0x40, s26, s10, $0xb8;
	[tilespmem:$0x15900] =	vst v63  }
0x54: {  	s29 =	sadd.s32 $0x3900, s9;
	s31 =	simm.s32 $0x800  }
0x55: {  	[tilespmem:s29], [sflag:$0x1] =	stream.indirect.gather [hbm4b:s3+s10], $0x40, s31, s10, $0xb8;
	[tilespmem:$0x15900] =	vst v63  }
0x56: {  	s22 =	sor.u32 $0x5900, s9;
	s23 =	simm.s32 $0x880  }
0x57: {  	[tilespmem:s22], [sflag:$0x1] =	stream.indirect.gather [hbm4b:s3+s10], $0x40, s23, s10, $0xb8;
	[tilespmem:$0x15900] =	vst v63  }
0x58: {  	s25 =	sadd.s32 $0x7900, s9;
	s26 =	simm.s32 $0x900  }
0x59: {  	[tilespmem:s25], [sflag:$0x1] =	stream.indirect.gather [hbm4b:s3+s10], $0x40, s26, s10, $0xb8;
	[tilespmem:$0x15900] =	vst v63  }
0x5a: {  	s9 =	sadd.s32 $0x9900, s9;
	s29 =	simm.s32 $0x980  }
0x5b: {  	[tilespmem:s9], [sflag:$0x1] =	stream.indirect.gather [hbm4b:s3+s10], $0x40, s29, s10, $0xb8;
	[tilespmem:$0x15900] =	vst v63  }
0x5c: {  	_ =	swait.ge [sflag:s30], $0x2000  }
0x5d: {  	[sflag:s30] =	ssyncset.done $0x0  }
0x5e: {  	[sflag:s30] =	ssyncadd.s32 $0xFFFFE000  }
0x5f: {  	_ =	swait.ge [sflag:s30], $0x2000  }
0x60: {  	[sflag:s30] =	ssyncset.done $0x0  }
0x61: {  	[sflag:s30] =	ssyncadd.s32 $0xFFFFE000  }
0x62: {  	_ =	swait.ge [sflag:s30], $0x2000  }
0x63: {  	[sflag:s30] =	ssyncset.done $0x0  }
0x64: {  	[sflag:s30] =	ssyncadd.s32 $0xFFFFE000  }
0x65: {  	_ =	swait.ge [sflag:s30], $0x2000  }
0x66: {  	[sflag:s30] =	ssyncset.done $0x0  }
0x67: {  	[sflag:s30] =	ssyncadd.s32 $0xFFFFE000  }
0x68: {  	s28 =	simm.s32 $0x1900;
	_ =	swait.ge [sflag:s30], $0x2000  }
0x69: {  	s28 =	simm.s32 @!p1 $0xB900;
	s21 =	sadd.s32 $0x1400, s24;
	[sflag:s30] =	ssyncset.done $0x0  }
0x6a: {  	s22 =	simm.s32 $0xA00;
	s23 =	simm.s32 $0x4;
	[sflag:s30] =	ssyncadd.s32 $0xFFFFE000  }
0x6b: {  	s31 =	sand.u32 $0x1, s23;
	s25 =	simm.s32 $0x1400;
	_ =	swait.ge [sflag:s17], $0xA000  }
0x6c: {  	p0 =	seq.s32 s31, $0x1;
	s9 =	smov.u32 s24;
	[sflag:s17] =	ssyncset.done $0x0  }
.LBB2_2:
0x6d: {  	s29 =	simm.s32 $0xA000;
	s31 =	sshra.s32 s22, $0x2  }
0x6e: {  	[sflag:s17] =	ssyncadd.s32 $0xFFFF6000;
	s22 =	smov.u32 s25;
	s29 =	simm.s32 @!p0 $0x0  }
0x6f: {  	[hbm4b:s9+s2] =	stream.linear.scatter [tilespmem:s28], [sflag:$0x2], $0xA000, $0x38;
	[tilespmem:$0x15900] =	vst v63  }
0x70: {  	s26 =	sadd.s32 $0xA00, s25;
	s9 =	sor.u32 $0x1900, s29;
	s28 =	sadd.s32 $0x780, s31  }
0x71: {  	[tilespmem:s9], [sflag:$0x1] =	stream.indirect.gather [hbm4b:s3+s10], $0x40, s28, s10, $0xb8;
	[tilespmem:$0x15900] =	vst v63  }
0x72: {  	p1 =	sne.s32 s25, $0x3C00;
	s25 =	sadd.s32 $0x800, s31;
	s9 =	sadd.s32 $0x3900, s29  }
0x73: {  	[tilespmem:s9], [sflag:$0x1] =	stream.indirect.gather [hbm4b:s3+s10], $0x40, s25, s10, $0xb8;
	[tilespmem:$0x15900] =	vst v63  }
0x74: {  	s28 =	sadd.s32 $0x880, s31;
	s25 =	sor.u32 $0x5900, s29;
	s9 =	smov.u32 s21  }
0x75: {  	[tilespmem:s25], [sflag:$0x1] =	stream.indirect.gather [hbm4b:s3+s10], $0x40, s28, s10, $0xb8;
	[tilespmem:$0x15900] =	vst v63  }
0x76: {  	s25 =	sadd.s32 $0x7900, s29;
	s28 =	sadd.s32 $0x900, s31  }
0x77: {  	[tilespmem:s25], [sflag:$0x1] =	stream.indirect.gather [hbm4b:s3+s10], $0x40, s28, s10, $0xb8;
	[tilespmem:$0x15900] =	vst v63  }
0x78: {  	s25 =	sadd.s32 $0x9900, s29;
	s28 =	sadd.s32 $0x980, s31  }
0x79: {  	[tilespmem:s25], [sflag:$0x1] =	stream.indirect.gather [hbm4b:s3+s10], $0x40, s28, s10, $0xb8;
	[tilespmem:$0x15900] =	vst v63  }
0x7a: {  	_ =	swait.ge [sflag:s30], $0x2000  }
0x7b: {  	[sflag:s30] =	ssyncset.done $0x0  }
0x7c: {  	[sflag:s30] =	ssyncadd.s32 $0xFFFFE000  }
0x7d: {  	_ =	swait.ge [sflag:s30], $0x2000  }
0x7e: {  	[sflag:s30] =	ssyncset.done $0x0  }
0x7f: {  	[sflag:s30] =	ssyncadd.s32 $0xFFFFE000  }
0x80: {  	_ =	swait.ge [sflag:s30], $0x2000  }
0x81: {  	[sflag:s30] =	ssyncset.done $0x0  }
0x82: {  	[sflag:s30] =	ssyncadd.s32 $0xFFFFE000  }
0x83: {  	_ =	swait.ge [sflag:s30], $0x2000  }
0x84: {  	[sflag:s30] =	ssyncset.done $0x0  }
0x85: {  	[sflag:s30] =	ssyncadd.s32 $0xFFFFE000  }
.Ltmp0:
0x86: {  	_ =	swait.ge [sflag:s30], $0x2000;
	(pc) =	sbr.rel @p1 .LBB2_2-.Ltmp0, $4  }
0x87: {  	s23 =	sadd.s32 $0x1, s23;
	[sflag:s30] =	ssyncset.done $0x0  }
0x88: {  	s21 =	sadd.s32 $0x1400, s21;
	s28 =	simm.s32 $0x1900;
	[sflag:s30] =	ssyncadd.s32 $0xFFFFE000  }
0x89: {  	s25 =	sand.u32 $0x1, s23;
	s28 =	simm.s32 @!p0 $0xB900;
	_ =	swait.ge [sflag:s17], $0xA000  }
0x8a: {  	p0 =	seq.s32 s25, $0x1;
	s25 =	smov.u32 s26;
	[sflag:s17] =	ssyncset.done $0x0  }
0x8b: {  	s23 =	simm.s32 $0xA000  }
0x8c: {  	s22 =	sshra.s32 s22, $0x2;
	[sflag:s17] =	ssyncadd.s32 $0xFFFF6000;
	s23 =	simm.s32 @!p0 $0x0  }
0x8d: {  	[hbm4b:s9+s2] =	stream.linear.scatter [tilespmem:s28], [sflag:$0x2], $0xA000, $0x38;
	[tilespmem:$0x15900] =	vst v63  }
0x8e: {  	s25 =	sadd.s32 $0x780, s22;
	s28 =	sor.u32 $0x1900, s23  }
0x8f: {  	[tilespmem:s28], [sflag:$0x1] =	stream.indirect.gather [hbm4b:s3+s10], $0x40, s25, s10, $0xb8;
	[tilespmem:$0x15900] =	vst v63  }
0x90: {  	s31 =	sadd.s32 $0x800, s22;
	s29 =	sadd.s32 $0x3900, s23  }
0x91: {  	[tilespmem:s29], [sflag:$0x1] =	stream.indirect.gather [hbm4b:s3+s10], $0x40, s31, s10, $0xb8;
	[tilespmem:$0x15900] =	vst v63  }
0x92: {  	s26 =	sadd.s32 $0x880, s22;
	s25 =	sor.u32 $0x5900, s23  }
0x93: {  	[tilespmem:s25], [sflag:$0x1] =	stream.indirect.gather [hbm4b:s3+s10], $0x40, s26, s10, $0xb8;
	[tilespmem:$0x15900] =	vst v63  }
0x94: {  	s28 =	sadd.s32 $0x7900, s23;
	s29 =	sadd.s32 $0x900, s22  }
0x95: {  	[tilespmem:s28], [sflag:$0x1] =	stream.indirect.gather [hbm4b:s3+s10], $0x40, s29, s10, $0xb8;
	[tilespmem:$0x15900] =	vst v63  }
0x96: {  	s31 =	sadd.s32 $0x9900, s23;
	s22 =	sadd.s32 $0x980, s22  }
0x97: {  	[tilespmem:s31], [sflag:$0x1] =	stream.indirect.gather [hbm4b:s3+s10], $0x40, s22, s10, $0xb8;
	[tilespmem:$0x15900] =	vst v63  }
0x98: {  	_ =	swait.ge [sflag:s30], $0x2000  }
0x99: {  	[sflag:s30] =	ssyncset.done $0x0  }
0x9a: {  	[sflag:s30] =	ssyncadd.s32 $0xFFFFE000  }
0x9b: {  	_ =	swait.ge [sflag:s30], $0x2000  }
0x9c: {  	[sflag:s30] =	ssyncset.done $0x0  }
0x9d: {  	[sflag:s30] =	ssyncadd.s32 $0xFFFFE000  }
0x9e: {  	_ =	swait.ge [sflag:s30], $0x2000  }
0x9f: {  	[sflag:s30] =	ssyncset.done $0x0  }
0xa0: {  	[sflag:s30] =	ssyncadd.s32 $0xFFFFE000  }
0xa1: {  	_ =	swait.ge [sflag:s30], $0x2000  }
0xa2: {  	[sflag:s30] =	ssyncset.done $0x0  }
0xa3: {  	[sflag:s30] =	ssyncadd.s32 $0xFFFFE000  }
0xa4: {  	_ =	swait.ge [sflag:s30], $0x2000  }
0xa5: {  	[sflag:s30] =	ssyncset.done $0x0  }
0xa6: {  	[sflag:s30] =	ssyncadd.s32 $0xFFFFE000  }
0xa7: {  	_ =	swait.ge [sflag:s17], $0xA000  }
0xa8: {  	s9 =	simm.s32 $0x1900;
	[sflag:s17] =	ssyncset.done $0x0  }
0xa9: {  	s9 =	simm.s32 @!p0 $0xB900;
	[sflag:s17] =	ssyncadd.s32 $0xFFFF6000  }
0xaa: {  	[hbm4b:s21+s2] =	stream.linear.scatter [tilespmem:s9], [sflag:$0x2], $0xA000, $0x38;
	[tilespmem:$0x15900] =	vst v63  }
0xab: {  	_ =	swait.ge [sflag:s30], $0x2000  }
0xac: {  	[sflag:s30] =	ssyncset.done $0x0  }
0xad: {  	[sflag:s30] =	ssyncadd.s32 $0xFFFFE000  }
0xae: {  	_ =	swait.ge [sflag:s30], $0x2000  }
0xaf: {  	[sflag:s30] =	ssyncset.done $0x0  }
0xb0: {  	[sflag:s30] =	ssyncadd.s32 $0xFFFFE000  }
0xb1: {  	_ =	swait.ge [sflag:s30], $0x2000  }
0xb2: {  	[sflag:s30] =	ssyncset.done $0x0  }
0xb3: {  	[sflag:s30] =	ssyncadd.s32 $0xFFFFE000  }
0xb4: {  	_ =	swait.ge [sflag:s30], $0x2000  }
0xb5: {  	[sflag:s30] =	ssyncset.done $0x0  }
0xb6: {  	[sflag:s30] =	ssyncadd.s32 $0xFFFFE000  }
0xb7: {  	_ =	swait.ge [sflag:s30], $0x2000  }
0xb8: {  	[sflag:s30] =	ssyncset.done $0x0  }
0xb9: {  	[sflag:s30] =	ssyncadd.s32 $0xFFFFE000  }
0xba: {  	_ =	swait.ge [sflag:s17], $0xA000  }
0xbb: {  	[sflag:s17] =	ssyncset.done $0x0  }
0xbc: {  	s19 =	sadd.s32 $0x1, s19;
	[sflag:s17] =	ssyncadd.s32 $0xFFFF6000  }
0xbd: {  	[hbm4b:s8+s2] =	stream.linear.scatter [tilespmem:s20], [sflag:$0x2], $0xA000, $0x38;
	[tilespmem:$0x15900] =	vst v63  }
0xbe: {  	p0 =	sne.s32 s19, s5;
	_ =	swait.ge [sflag:s17], $0xA000  }
.Ltmp1:
0xbf: {  	[sflag:s17] =	ssyncset.done $0x0;
	(pc) =	sbr.rel @p0 .LBB2_1-.Ltmp1, $4  }
0xc0: {  	[sflag:s17] =	ssyncadd.s32 $0xFFFF6000  }
0xc1: {  	_ =	swait.ge [sflag:s17], $0xA000  }
0xc2: {  	[sflag:s17] =	ssyncset.done $0x0  }
0xc3: {  	[sflag:s17] =	ssyncadd.s32 $0xFFFF6000  }
0xc4: {  	_ =	sfence.sel $0x180000  }
0xc5: {  	[bflag:$0x0] =	sbarrier.arrive $0xFFFF  }
0xc6: {  	_ =	strace $0x90000047  }
0xc7: {  	s0 =	stileid.u32;
	[bflag:$0x2] =	sbarrier.arrive $0xFFFF  }
0xc8: {  	p0 =	sne.s32 s0, $0x0;
	s0 =	rddreg [dreg:$0x2]  }
0xc9: {  	s0 =	sadd.s32 @!p0 $0x100000, s0  }
0xca: {  	[sflag:s0] =	ssyncadd.tile.s32 @!p0 $0x1;
	_ =	shalt  }
.Lfunc_end2:
_tile_overlayer_lowered:
.L_overlay_start_2:
0xcb: {  	(tag) =	ssettag $0x2  }
0xcc: {  	s0 =	rddreg [dreg:$0x0];
	s2 =	stileid.u32  }
0xcd: {  	s1 =	rddreg [dreg:$0x1];
	p0 =	sne.s32 s2, $0x0  }
0xce: {  	s3 =	rddreg [dreg:$0x2];
	[bflag:$0x3] =	sbarrier.arrive $0xFFFF;
	s2 =	simm.s32 @!p0 $0x1C03  }
0xcf: {  	[timem:s3], [sflag:s2] =	dma.local @!p0 [hbm:s0], s1  }
0xd0: {  	s0 =	simm.s32 @!p0 $0x3  }
0xd1: {  	_ =	swait.ge @!p0 [sflag:s0], s1  }
0xd2: {  	s1 =	ssub.s32 @!p0 $0x0, s1;
	[sflag:s0] =	ssyncset.done @!p0 $0x0  }
0xd3: {  	[sflag:s0] =	ssyncadd.s32 @!p0 s1  }
0xd4: {  	[bflag:$0x3] =	sbarrier.arrive $0xFFFF  }
0xd5: {  	_ =	shalt  }

// kernel: sparse-core-data-format-call.cloned.1.call-start
scs
called_computation_lowered:
.L_overlay_start_0:
0x0: {  	s2 =	sld [smem:$0x3FD9]  }
0x1: {  	s3 =	sld [smem:$0x3FFE];
	_ =	sdelay $0x1  }
0x2: {  	s1 =	srdreg.scid  }
0x3: {  	s0 =	sand.u32 $0x1, s1  }
0x4: {  	s18 =	sshll.u32 s0, $0xA;
	s2 =	sadd.s32 s3, s2  }
0x5: {  	s2 =	sadd.s32 s2, s18  }
0x6: {  	[smem:$0x3FC6] =	sst s2  }
0x7: {  	_ = 	snop  }
0x8: {  	s2 =	sld [smem:$0x3FD0];
	(tm) =	ssettm $0x1  }
0x9: {  	s19 =	sld [smem:$0x3FFB];
	_ =	sdelay $0x3  }
0xa: {  	_ =	strace s19  }
0xb: {  	s3 =	sld [smem:$0x3FFC];
	_ =	sdelay $0x3  }
0xc: {  	_ =	strace s3  }
0xd: {  	s3 =	sld [smem:$0x3FFD];
	_ =	sdelay $0x3  }
0xe: {  	_ =	strace s3  }
0xf: {  	_ =	strace $0x8FFFFFFF  }
0x10: {  	s20 =	sld [smem:$0x3FDB];
	_ =	sdelay $0x1  }
0x11: {  	s4 =	simm.s32 $_scs_section_size  }
0x12: {  	s5 =	simm.s32 $_size__tile_overlayer_lowered;
	s6 =	simm.s32 $_tile_overlayer_lowered  }
0x13: {  	s23 =	simm.s32 $0x1BFF;
	s22 =	sshll.u32 s6, $0x1;
	s3 =	sadd.s32 s4, s20  }
0x14: {  	s7 =	simm.s32 $0x0;
	s21 =	sshll.u32 s5, $0x1;
	s5 =	sadd.s32 s22, s3  }
0x15: {  	[timem:s7], [sflag:s23] =	dma.local [hbm:s5], s21  }
0x16: {  	_ =	swait.ge [sflag:s23], s21  }
0x17: {  	s4 =	ssub.s32 $0x0, s21;
	[sflag:s23] =	ssyncset.done $0x0  }
0x18: {  	[sflag:s23] =	ssyncadd.s32 s4;
	_ =	sdelay $0x1  }
0x19: {  	s24 =	simm.s32 $0x1B8B  }
0x1a: {  	_ =	swait.ge [sflag:s24], $0x1  }
0x1b: {  	[sflag:s24] =	ssyncset.done $0x0  }
0x1c: {  	s26 =	simm.s32 $0x1B8E;
	s25 =	sld [smem:$0x3FFE];
	[sflag:s24] =	ssyncadd.s32 $0xFFFFFFFF  }
0x1d: {  	s27 =	simm.s32 $execute0_lowered;
	[smem:$0x3FD2] =	sst s26  }
0x1e: {  	s5 =	sshll.u32 s27, $0x1;
	_ =	strace $0x80000049;
	[dreg:$0x1] =	wrdreg $0xFFFFFFFF  }
0x1f: {  	s28 =	simm.s32 $_size_execute0_lowered;
	s3 =	sadd.s32 s3, s5;
	[dreg:$0x0] =	wrdreg $0x0  }
0x20: {  	s5 =	sshll.u32 s28, $0x1;
	[dreg:$0x2] =	wrdreg s3  }
0x21: {  	[dreg:$0x3] =	wrdreg s5  }
0x22: {  	[dreg:$0x4] =	wrdreg $0xC0  }
0x23: {  	_ =	task [dreg:s7], $0x5FFFF  }
0x24: {  	[dreg:$0x1] =	wrdreg $0xFFFFFFFF  }
0x25: {  	[dreg:$0x0] =	wrdreg $0x60  }
0x26: {  	[dreg:$0x2] =	wrdreg s25  }
0x27: {  	[dreg:$0x3] =	wrdreg s2  }
0x28: {  	[dreg:$0x4] =	wrdreg $0x9  }
0x29: {  	_ =	task.clear_ibuf [dreg:s7], $0x5FFFF;
	_ =	strace $0x90000049  }
0x2a: {  	s29 =	simm.s32 $0x9;
	_ =	strace $0x8000004B  }
0x2b: {  	_ =	swait.ge [sflag:s29], $0x1  }
0x2c: {  	[sflag:s29] =	ssyncadd.s32 $0xFFFFFFFF  }
0x2d: {  	_ =	strace $0x9000004B  }
0x2e: {  	_ =	sfence  }
0x2f: {  	s30 =	sld [smem:$0x0];
	_ =	sdelay $0x2  }
0x30: {  	s31 =	sshll.u32 s1, $0xD;
	s1 =	sshrl.u32 s1, $0x2  }
0x31: {  	s3 =	sand.u32 $0x4000, s31;
	s1 =	sadd.s32 s1, s30  }
0x32: {  	s0 =	sor.u32 s3, s0;
	s1 =	sshll.u32 s1, $0x11  }
0x33: {  	s0 =	sor.u32 s1, s0  }
0x34: {  	s0 =	sadd.s32 $0x8F2B, s0  }
0x35: {  	[sflag:s0] =	ssyncadd.remote.s32 $0x1  }
0x36: {  	_ =	sfence.sel $0xFFFF  }
0x37: {  	[dreg:$0x0] =	wrdreg $0xFFFFFFFF;
	(pc) =	sbr.abs _section_cstart, $3  }
0x38: {  	[dreg:$0x1] =	wrdreg $0xFFFFFFFF  }
0x39: {  	_ =	task.clear_ibuf [dreg:s7], $0x2FFFF;
	_ =	strace $0x9FFFFFFF  }
0x3a: {  	(tm) =	ssettm $0x7FFFFFFF  }
0x3b: {  	_ =	shalt  }
tec
execute0_lowered:
.L_overlay_start_1:
0x0: {  	(tag) =	ssettag $0x1  }
0x1: {  	s0 =	srdreg.scid  }
0x2: {  	s1 =	sshll.u32 s0, $0x4  }
0x3: {  	s0 =	stileid.u32;
	s1 =	sand.u32 $0x10, s1  }
0x4: {  	s1 =	sor.u32 s0, s1  }
0x5: {  	s6 =	rddreg [dreg:$0x0];
	s4 =	simm.s32 $0x1;
	s2 =	sshll.u32 s1, $0x7  }
0x6: {  	s7 =	simm.s32 $0x2;
	s12 =	simm.s32 $0x0;
	s1 =	ssub.s32 $0x1000, s2  }
0x7: {  	s8 =	simm.s32 $0x8000;
	s13 =	simm.s32 $0x0;
	s3 =	sand.u32 $0xF80, s1  }
0x8: {  	s9 =	simm.s32 $0x0;
	s5 =	sshrl.u32 s1, $0xC;
	p0 =	sne.s32 s3, $0x0  }
.Ltmp0:
0x9: {  	s1 =	rddreg [dreg:$0x2];
	s4 =	simm.s32 @!p0 $0x0;
	(pc) =	sbr.rel .LBB1_1-.Ltmp0, $4  }
0xa: {  	s11 =	simm.s32 $0x0;
	s3 =	rddreg [dreg:$0x1];
	s5 =	sadd.s32 s4, s5  }
0xb: {  	_ =	strace $0x8000004A;
	s4 =	simm.s32 $0x1;
	s5 =	smul.u32 $0x32, s5  }
0xc: {  	s6 =	sadd.s32 $0xA00, s6;
	s10 =	smov.u32 s2;
	[sflag:s4] =	ssyncpa.u1 $0x0  }
0xd: {  	p0 =	por $0x0, $0x0;
	[sflag:s7] =	ssyncpa.u1 $0x0;
	s7 =	sor.u32 $0x1, s5  }
.LBB1_4:
0xe: {  	s16 =	sshll.u32 s13, $0x3;
	s17 =	sand.u32 $0x78, s13  }
0xf: {  	s30 =	sand.u32 $0x7E00, s13;
	s12 =	sshll.u32 s12, $0xF;
	s16 =	sand.u32 $0xC00, s16  }
0x10: {  	[tilespmem:s15+$0x810 ss:$0x81] =	vst.msk $0xffff, v2;
	s31 =	sand.u32 $0x7, s13;
	s16 =	sor.u32 s17, s16;
	s17 =	sadd.s32 s3, s30  }
0x11: {  	[tilespmem:s15+$0x1020 ss:$0x81] =	vst.msk $0xffff, v0;
	s13 =	sshll.u32 s31, $0x12;
	s12 =	sadd.s32 s12, s17;
	s16 =	sshrl.u32 s16, $0x3  }
0x12: {  	[tilespmem:s15+$0x0 ss:$0x81] =	vst.msk $0xffff, v1;
	s13 =	sor.u32 $0x400, s13;
	s12 =	sadd.s32 s16, s12  }
0x13: {  	[hbm4b:s12+s13] =	stream.strided.scatter [tilespmem:s14], [sflag:$0x2], $0x2000, s8, s13, $0x20;
	[tilespmem:$0x8080] =	vst v63  }
.LBB1_5:
0x14: {  	s14 =	sadd.s32 $0x1, s9  }
0x15: {  	s12 =	sadd.s32 $0x1000, s10;
	s16 =	smov.u32 s10;
	p2 =	sgt.s32 s14, $0x31  }
0x16: {  	s16 =	smov.u32 @p2 s12  }
0x17: {  	s14 =	simm.s32 @p2 $0x0;
	p2 =	sgt.s32 s16, $0xFFF  }
0x18: {  	s16 =	smov.u32 @p2 s2;
	p2 =	sne.s32 s11, s7  }
.Ltmp1:
0x19: {  	p1 =	slt.u32 s11, $0x2;
	(pc) =	sbr.rel @!p2 .LBB1_6-.Ltmp1, $4  }
0x1a: {  	s15 =	simm.s32 @!p1 $0x2  }
0x1b: {  	s13 =	smov.u32 s10;
	p0 =	por !p0, !p0;
	_ =	swait.ge @!p1 [sflag:s15], $0x2000  }
0x1c: {  	s12 =	smov.u32 s9;
	[sflag:s15] =	ssyncset.done @!p1 $0x0;
	s9 =	smov.u32 s14  }
0x1d: {  	s11 =	sadd.s32 $0x1, s11;
	[sflag:s15] =	ssyncadd.s32 @!p1 $0xFFFFE000;
	s10 =	smov.u32 s16  }
.LBB1_1:
0x1e: {  	p1 =	sge.u32 s11, s5  }
0x1f: {  	s14 =	sand.u32 @!p1 $0x1FFFFFF, s9  }
0x20: {  	s15 =	smulhi.u32 @!p1 $0x4924925, s14;
	_ =	sdelay $0x1  }
0x21: {  	s15 =	smul.u32 @!p1 $0x38, s15  }
0x22: {  	s16 =	sxor.u32 @!p1 $0xFFFFFFFF, s11;
	s17 =	smul.u32 @!p1 $0x380, s10  }
0x23: {  	s31 =	sadd.s32 $0xFFFFFFFF, s11;
	s16 =	sshll.u32 @!p1 s16, $0xD;
	s14 =	ssub.s32 @!p1 s14, s15  }
0x24: {  	s15 =	sand.u32 @!p1 $0x2000, s16;
	s16 =	sadd.s32 @!p1 s6, s17;
	s14 =	sshll.u32 @!p1 s14, $0x4  }
0x25: {  	s17 =	simm.s32 @!p1 $0x1C00;
	s14 =	sadd.s32 @!p1 s14, s16;
	s16 =	simm.s32 @!p1 $0x40  }
0x26: {  	[tilespmem:s15], [sflag:$0x1] =	stream.strided.gather @!p1 [hbm4b:s14+s16], $0x2000, s17, s16, $0x38;
	[tilespmem:$0x8080] =	vst v63  }
0x27: {  	p1 =	sge.u32 s31, s5  }
.Ltmp2:
0x28: {  	_ = 	snop;
	(pc) =	sbr.rel @p1 .LBB1_5-.Ltmp2, $1  }
0x29: {  	_ =	sdelay $0x3  }
0x2a: {  	s14 =	simm.s32 $0x1  }
0x2b: {  	_ =	swait.ge [sflag:s4], $0x2000;
	s14 =	simm.s32 @!p0 $0x0  }
0x2c: {  	[sflag:s4] =	ssyncset.done $0x0;
	s15 =	sshll.u32 s14, $0xD  }
0x2d: {  	[sflag:s4] =	ssyncadd.s32 $0xFFFFE000;
	s18 =	sor.u32 $0x20, s15  }
0x2e: {  	s14 =	smul.u32 $0x8100, s14;
	v3 =	vld [tilespmem:s18+$0x10]  }
0x2f: {  	s30 =	sand.u32 $0x1, s11;
	v2 =	vld [tilespmem:s18+$0xFFFFFFF0]  }
0x30: {  	s15 =	smul.u32 $0x8100, s30;
	s14 =	sshrl.u32 s14, $0x2;
	v0 =	vld [tilespmem:s18+$0x0]  }
0x31: {  	v1 =	vld [tilespmem:s18+$0xFFFFFFE0];
	s16 =	sor.u32 $0x4000, s14  }
0x32: {  	s31 =	sshrl.u32 s15, $0x2;
	s15 =	sadd.s32 $0x0, s16  }
0x33: {  	s17 =	simm.s32 $0x4;
	s18 =	sadd.s32 $0x40, s18;
	s14 =	sor.u32 $0x4000, s31;
	[tilespmem:s15+$0x1830 ss:$0x81] =	vst.msk $0xffff, v3  }
.LBB1_3:
0x34: {  	v3 =	vld [tilespmem:s18+$0x10];
	p1 =	sne.s32 s17, $0x1FC;
	[tilespmem:s15+$0x810 ss:$0x81] =	vst.msk $0xffff, v2;
	s19 =	smov.u32 s17;
	s17 =	sadd.s32 $0x4, s17  }
.Ltmp3:
0x35: {  	v2 =	vld [tilespmem:s18+$0xFFFFFFF0];
	[tilespmem:s15+$0x1020 ss:$0x81] =	vst.msk $0xffff, v0;
	(pc) =	sbr.rel @p1 .LBB1_3-.Ltmp3, $4  }
0x36: {  	v0 =	vld [tilespmem:s18+$0x0];
	[tilespmem:s15+$0x0 ss:$0x81] =	vst.msk $0xffff, v1  }
0x37: {  	s15 =	sshra.s32 s19, $0x2;
	v1 =	vld [tilespmem:s18+$0xFFFFFFE0]  }
0x38: {  	s15 =	sadd.s32 s15, s16  }
0x39: {  	s18 =	sadd.s32 $0x40, s18;
	[tilespmem:s15+$0x1830 ss:$0x81] =	vst.msk $0xffff, v3  }
.Ltmp4:
0x3a: {  	_ = 	snop;
	(pc) =	sbr.rel .LBB1_4-.Ltmp4, $1  }
0x3b: {  	_ =	sdelay $0x3  }
.LBB1_6:
0x3c: {  	_ =	sfence.sel $0x180000  }
0x3d: {  	s2 =	simm.s32 $0x1;
	[bflag:$0x0] =	sbarrier.arrive $0xFFFF  }
0x3e: {  	s31 =	simm.s32 $0x2;
	[sflag:s2] =	ssyncpa.u1 $0x1  }
0x3f: {  	[sflag:s31] =	ssyncpa.u1 $0x1  }
0x40: {  	p0 =	sne.s32 s0, $0x0;
	_ =	strace $0x9000004A  }
0x41: {  	s0 =	sadd.s32 @!p0 $0x100000, s1;
	[bflag:$0x2] =	sbarrier.arrive $0xFFFF  }
0x42: {  	[sflag:s0] =	ssyncadd.tile.s32 @!p0 $0x1;
	_ =	shalt  }
.Lfunc_end1:
_tile_overlayer_lowered:
.L_overlay_start_2:
0x43: {  	(tag) =	ssettag $0x2  }
0x44: {  	s0 =	rddreg [dreg:$0x0];
	s2 =	stileid.u32  }
0x45: {  	s1 =	rddreg [dreg:$0x1];
	p0 =	sne.s32 s2, $0x0  }
0x46: {  	s3 =	rddreg [dreg:$0x2];
	[bflag:$0x3] =	sbarrier.arrive $0xFFFF;
	s2 =	simm.s32 @!p0 $0x1C01  }
0x47: {  	[timem:s3], [sflag:s2] =	dma.local @!p0 [hbm:s0], s1  }
0x48: {  	s0 =	simm.s32 @!p0 $0x1  }
0x49: {  	_ =	swait.ge @!p0 [sflag:s0], s1  }
0x4a: {  	s1 =	ssub.s32 @!p0 $0x0, s1;
	[sflag:s0] =	ssyncset.done @!p0 $0x0  }
0x4b: {  	[sflag:s0] =	ssyncadd.s32 @!p0 s1  }
0x4c: {  	[bflag:$0x3] =	sbarrier.arrive $0xFFFF  }
0x4d: {  	_ =	shalt  }

</sc_bundles>
